<compile_context>
chip_gen: v7x
topology: tpu7x:2x2x1
jax: 0.10.2.dev20260603
libtpu: 0.0.44.dev20260713+nightly
codegen_flags: <defaults>
</compile_context>

<pallas_src>
import functools

import jax
import jax.numpy as jnp
from jax import lax
from jax.experimental import pallas as pl
from jax.experimental.pallas import tpu as pltpu
from jax.experimental.pallas import tpu_sc as plsc

B = 8
N = 4096
D = 64
S = 512
K = 32
RADIUS = 0.5
M = B * S * K
MF = float(M)
BIG = 1e30


def _fps_body(xyz_ref, out_ref):
    x0 = xyz_ref[:, 0, :]
    x1 = xyz_ref[:, 1, :]
    x2 = xyz_ref[:, 2, :]
    iota_n = lax.broadcasted_iota(jnp.int32, (B, N), 1)
    lane_s = lax.broadcasted_iota(jnp.int32, (B, S), 1)

    def step(t, carry):
        dist, far, o0, o1, o2, o3 = carry
        sel = iota_n == far
        c0 = jnp.sum(jnp.where(sel, x0, 0.0), axis=1, keepdims=True)
        c1 = jnp.sum(jnp.where(sel, x1, 0.0), axis=1, keepdims=True)
        c2 = jnp.sum(jnp.where(sel, x2, 0.0), axis=1, keepdims=True)
        rec = lane_s == t
        o0 = jnp.where(rec, c0, o0)
        o1 = jnp.where(rec, c1, o1)
        o2 = jnp.where(rec, c2, o2)
        o3 = jnp.where(rec, (c0 * c0 + c1 * c1) + c2 * c2, o3)
        d = (x0 - c0) ** 2 + (x1 - c1) ** 2 + (x2 - c2) ** 2
        dist = jnp.minimum(dist, d)
        m = jnp.max(dist, axis=1, keepdims=True)
        far = jnp.min(jnp.where(dist == m, iota_n, N), axis=1, keepdims=True)
        return dist, far, o0, o1, o2, o3

    init = (jnp.full((B, N), 1e10, jnp.float32),
            jnp.zeros((B, 1), jnp.int32),
            jnp.zeros((B, S), jnp.float32),
            jnp.zeros((B, S), jnp.float32),
            jnp.zeros((B, S), jnp.float32),
            jnp.zeros((B, S), jnp.float32))
    _, _, o0, o1, o2, o3 = lax.fori_loop(0, S, step, init)
    out_ref[:, 0, :] = o0
    out_ref[:, 1, :] = o1
    out_ref[:, 2, :] = o2
    out_ref[:, 3, :] = o3


def _fps(xyz):
    return pl.pallas_call(
        _fps_body,
        out_shape=jax.ShapeDtypeStruct((B, 4, S), jnp.float32),
    )(xyz)


def _bq_body(xyzt_ref, pts_ref, nx_ref, s2_ref, w0x_ref, w0p_ref, b0_ref,
             idx_ref, q_ref, p_ref):
    b = pl.program_id(0)
    xyzt = xyzt_ref[0]
    nx = nx_ref[0]
    s2 = s2_ref[0]

    x2 = jnp.sum(xyzt ** 2, axis=1, keepdims=True)
    dots = lax.dot_general(xyzt, nx, (((1,), (1,)), ((), ())),
                           preferred_element_type=jnp.float32)
    sq = (s2 + x2) - 2.0 * dots
    sqrd = jnp.sqrt(jnp.maximum(sq, 0.0))

    iota_n = lax.broadcasted_iota(jnp.int32, (N, S), 0)
    row_k = lax.broadcasted_iota(jnp.int32, (K, S), 0)
    base = b * N
    BIG_I = jnp.int32(0x7F000000)
    bits = lax.bitcast_convert_type(sq, jnp.int32)
    packed = jnp.bitwise_or(jnp.bitwise_and(bits, jnp.int32(-4096)), iota_n)
    key0 = jnp.where(sqrd < RADIUS * RADIUS, packed, BIG_I)

    def step(t, carry):
        key, out = carry
        colmin = jnp.min(key, axis=0, keepdims=True)
        valid = colmin < BIG_I
        pick = jnp.where(valid,
                         jnp.bitwise_and(colmin, jnp.int32(4095)) + base,
                         base)
        out = jnp.where(row_k == t, pick, out)
        key = jnp.where(key == colmin, BIG_I, key)
        return key, out

    _, out_idx = lax.fori_loop(0, K, step,
                               (key0, jnp.zeros((K, S), jnp.int32)))
    idx_ref[0] = out_idx

    q_ref[0] = lax.dot_general(nx, w0x_ref[...], (((1,), (1,)), ((), ())),
                               preferred_element_type=jnp.float32)

    p = lax.dot_general(xyzt, w0x_ref[...], (((1,), (1,)), ((), ())),
                        preferred_element_type=jnp.float32)
    p = p + lax.dot_general(pts_ref[0], w0p_ref[...], (((0,), (1,)), ((), ())),
                            preferred_element_type=jnp.float32)
    p_ref[0] = p + b0_ref[...]


def _bq(xyz_t, points, new_xyz_t, s2row, w0x, w0p, b0row, nb):
    return pl.pallas_call(
        _bq_body,
        grid=(nb,),
        in_specs=[
            pl.BlockSpec((1, N, 3), lambda b: (b, 0, 0)),
            pl.BlockSpec((1, D, N), lambda b: (b, 0, 0)),
            pl.BlockSpec((1, S, 3), lambda b: (b, 0, 0)),
            pl.BlockSpec((1, 1, S), lambda b: (b, 0, 0)),
            pl.BlockSpec((128, 3), lambda b: (0, 0)),
            pl.BlockSpec((128, D), lambda b: (0, 0)),
            pl.BlockSpec((1, 128), lambda b: (0, 0)),
        ],
        out_specs=[
            pl.BlockSpec((1, K, S), lambda b: (b, 0, 0)),
            pl.BlockSpec((1, S, 128), lambda b: (b, 0, 0)),
            pl.BlockSpec((1, N, 128), lambda b: (b, 0, 0)),
        ],
        out_shape=[
            jax.ShapeDtypeStruct((nb, K, S), jnp.int32),
            jax.ShapeDtypeStruct((nb, S, 128), jnp.float32),
            jax.ShapeDtypeStruct((nb, N, 128), jnp.float32),
        ],
    )(xyz_t, points, new_xyz_t, s2row, w0x, w0p, b0row)


_CHUNK = 128
_PER_W = M // 32


_NB = 4


def _sc_gather_call(p_flat, gidx2d, n_rows):
    per_w = n_rows // 32
    nch = per_w // _CHUNK
    mesh = plsc.VectorSubcoreMesh(core_axis_name="c", subcore_axis_name="s")

    @functools.partial(
        pl.kernel,
        out_type=jax.ShapeDtypeStruct((n_rows, 128), jnp.float32),
        scratch_types=[
            pltpu.VMEM((nch, _CHUNK), jnp.int32),
            pltpu.VMEM((_CHUNK, 128), jnp.float32),
            pltpu.VMEM((_CHUNK, 128), jnp.float32),
            pltpu.VMEM((_CHUNK, 128), jnp.float32),
            pltpu.VMEM((_CHUNK, 128), jnp.float32),
            pltpu.SemaphoreType.DMA,
            pltpu.SemaphoreType.DMA,
        ],
        mesh=mesh,
    )
    def gather_kernel(p_hbm, gidx_hbm, out_hbm,
                      idx_v, r0, r1, r2, r3, gsem, osem):
        rows = (r0, r1, r2, r3)
        wid = lax.axis_index("s") * 2 + lax.axis_index("c")
        w_base = wid * per_w
        pltpu.sync_copy(gidx_hbm.at[pl.ds(wid * nch, nch)], idx_v)

        def group(g, _):
            @pl.when(g > 0)
            def _():
                for b in range(_NB):
                    jp = (g - 1) * _NB + b
                    pltpu.make_async_copy(
                        rows[b],
                        out_hbm.at[pl.ds(w_base + jp * _CHUNK, _CHUNK)],
                        osem).wait()
            for b in range(_NB):
                j = g * _NB + b
                pltpu.async_copy(p_hbm.at[idx_v.at[j]], rows[b], gsem)
            for b in range(_NB):
                j = g * _NB + b
                pltpu.make_async_copy(p_hbm.at[idx_v.at[j]], rows[b],
                                      gsem).wait()
                pltpu.async_copy(
                    rows[b], out_hbm.at[pl.ds(w_base + j * _CHUNK, _CHUNK)],
                    osem)
            return 0

        lax.fori_loop(0, nch // _NB, group, 0)
        for b in range(_NB):
            jp = nch - _NB + b
            pltpu.make_async_copy(
                rows[b], out_hbm.at[pl.ds(w_base + jp * _CHUNK, _CHUNK)],
                osem).wait()

    return gather_kernel(p_flat, gidx2d)


def _sc_gather_rows(p_flat, gidx, n_rows):
    return _sc_gather_call(p_flat, gidx, n_rows)


def _stats0_body(g_ref, q_ref, acc_ref):
    @pl.when(pl.program_id(0) == 0)
    def _():
        acc_ref[...] = jnp.zeros_like(acc_ref)

    q = q_ref[0]
    s = jnp.zeros((1, 128), jnp.float32)
    s2 = jnp.zeros((1, 128), jnp.float32)
    for j in range(8):
        z = g_ref[j * S:(j + 1) * S, :] - q
        s = s + jnp.sum(z, axis=0, keepdims=True)
        s2 = s2 + jnp.sum(z * z, axis=0, keepdims=True)
    acc_ref[0:1, :] += s
    acc_ref[1:2, :] += s2


def _stats0(g, q):
    return pl.pallas_call(
        _stats0_body,
        grid=(32,),
        in_specs=[
            pl.BlockSpec((4096, 128), lambda i: (i, 0)),
            pl.BlockSpec((1, S, 128), lambda i: (i // 4, 0, 0)),
        ],
        out_specs=pl.BlockSpec((2, 128), lambda i: (0, 0)),
        out_shape=jax.ShapeDtypeStruct((2, 128), jnp.float32),
    )(g, q)


def _passb_body(g_ref, q_ref, st_ref, g0_ref, be0_ref, w1_ref, b1_ref,
                y1_ref, acc_ref):
    @pl.when(pl.program_id(0) == 0)
    def _():
        acc_ref[...] = jnp.zeros_like(acc_ref)

    m = st_ref[0:1, :] / MF
    v = st_ref[1:2, :] / MF - m * m
    inv = 1.0 / jnp.sqrt(v + 1e-5)
    scale = inv * g0_ref[...]
    shift = be0_ref[...] - m * scale

    q = q_ref[0]
    parts = []
    for j in range(8):
        z = g_ref[j * S:(j + 1) * S, :] - q
        parts.append(jnp.maximum(z * scale + shift, 0.0))
    a = jnp.concatenate(parts, axis=0)
    y1 = lax.dot_general(a, w1_ref[...], (((1,), (1,)), ((), ())),
                         preferred_element_type=jnp.float32) + b1_ref[...]
    y1_ref[...] = y1
    acc_ref[0:1, :] += jnp.sum(y1, axis=0, keepdims=True)
    acc_ref[1:2, :] += jnp.sum(y1 * y1, axis=0, keepdims=True)


def _passb(g, q, st0, g0row, be0row, w1, b1row):
    return pl.pallas_call(
        _passb_body,
        grid=(32,),
        in_specs=[
            pl.BlockSpec((4096, 128), lambda i: (i, 0)),
            pl.BlockSpec((1, S, 128), lambda i: (i // 4, 0, 0)),
            pl.BlockSpec((2, 128), lambda i: (0, 0)),
            pl.BlockSpec((1, 128), lambda i: (0, 0)),
            pl.BlockSpec((1, 128), lambda i: (0, 0)),
            pl.BlockSpec((128, 128), lambda i: (0, 0)),
            pl.BlockSpec((1, 128), lambda i: (0, 0)),
        ],
        out_specs=[
            pl.BlockSpec((4096, 128), lambda i: (i, 0)),
            pl.BlockSpec((2, 128), lambda i: (0, 0)),
        ],
        out_shape=[
            jax.ShapeDtypeStruct((M, 128), jnp.float32),
            jax.ShapeDtypeStruct((2, 128), jnp.float32),
        ],
    )(g, q, st0, g0row, be0row, w1, b1row)


def _passc_body(y1_ref, st_ref, g1_ref, be1_ref, w2_ref, b2_ref,
                mx_ref, mn_ref, acc_ref):
    @pl.when(pl.program_id(0) == 0)
    def _():
        acc_ref[...] = jnp.zeros_like(acc_ref)

    m = st_ref[0:1, :] / MF
    v = st_ref[1:2, :] / MF - m * m
    inv = 1.0 / jnp.sqrt(v + 1e-5)
    scale = inv * g1_ref[...]
    shift = be1_ref[...] - m * scale

    a = jnp.maximum(y1_ref[...] * scale + shift, 0.0)
    y2 = lax.dot_general(a, w2_ref[...], (((1,), (1,)), ((), ())),
                         preferred_element_type=jnp.float32) + b2_ref[...]
    acc_ref[0:1, :] += jnp.sum(y2, axis=0, keepdims=True)
    acc_ref[1:2, :] += jnp.sum(y2 * y2, axis=0, keepdims=True)
    mx = y2[0:S, :]
    mn = y2[0:S, :]
    for k in range(1, K):
        blk = y2[k * S:(k + 1) * S, :]
        mx = jnp.maximum(mx, blk)
        mn = jnp.minimum(mn, blk)
    mx_ref[...] = mx
    mn_ref[...] = mn


def _passc(y1, st1, g1row, be1row, w2, b2row):
    return pl.pallas_call(
        _passc_body,
        grid=(B,),
        in_specs=[
            pl.BlockSpec((S * K, 128), lambda b: (b, 0)),
            pl.BlockSpec((2, 128), lambda b: (0, 0)),
            pl.BlockSpec((1, 128), lambda b: (0, 0)),
            pl.BlockSpec((1, 128), lambda b: (0, 0)),
            pl.BlockSpec((256, 128), lambda b: (0, 0)),
            pl.BlockSpec((1, 256), lambda b: (0, 0)),
        ],
        out_specs=[
            pl.BlockSpec((S, 256), lambda b: (b, 0)),
            pl.BlockSpec((S, 256), lambda b: (b, 0)),
            pl.BlockSpec((2, 256), lambda b: (0, 0)),
        ],
        out_shape=[
            jax.ShapeDtypeStruct((B * S, 256), jnp.float32),
            jax.ShapeDtypeStruct((B * S, 256), jnp.float32),
            jax.ShapeDtypeStruct((2, 256), jnp.float32),
        ],
    )(y1, st1, g1row, be1row, w2, b2row)


def _passd_body(mx_ref, mn_ref, st_ref, g2_ref, be2_ref, out_ref):
    m = st_ref[0:1, :] / MF
    v = st_ref[1:2, :] / MF - m * m
    inv = 1.0 / jnp.sqrt(v + 1e-5)
    scale = inv * g2_ref[...]
    shift = be2_ref[...] - m * scale

    picked = jnp.where(scale > 0.0, mx_ref[...], mn_ref[...])
    r = jnp.maximum(picked * scale + shift, 0.0)
    eye = (lax.broadcasted_iota(jnp.int32, (S, S), 0)
           == lax.broadcasted_iota(jnp.int32, (S, S), 1)).astype(jnp.float32)
    out_ref[0] = lax.dot_general(r, eye, (((0,), (0,)), ((), ())),
                                 preferred_element_type=jnp.float32)


def _passd(mx, mn, st2, g2row, be2row):
    return pl.pallas_call(
        _passd_body,
        grid=(B,),
        in_specs=[
            pl.BlockSpec((S, 256), lambda b: (b, 0)),
            pl.BlockSpec((S, 256), lambda b: (b, 0)),
            pl.BlockSpec((2, 256), lambda b: (0, 0)),
            pl.BlockSpec((1, 256), lambda b: (0, 0)),
            pl.BlockSpec((1, 256), lambda b: (0, 0)),
        ],
        out_specs=pl.BlockSpec((1, 256, S), lambda b: (b, 0, 0)),
        out_shape=jax.ShapeDtypeStruct((B, 256, S), jnp.float32),
    )(mx, mn, st2, g2row, be2row)


def kernel(xyz, points, W0, b0, g0, be0, W1, b1, g1, be1, W2, b2, g2, be2):
    w0x = W0[:, :3]
    w0p = W0[:, 3:]
    b0row = b0.reshape(1, 128)
    fps_out = _fps(xyz)
    new_xyz = fps_out[:, :3, :]
    s2row = fps_out[:, 3:4, :]
    new_xyz_t = jnp.transpose(new_xyz, (0, 2, 1))
    xyz_t = jnp.transpose(xyz, (0, 2, 1))
    idx, q, p = _bq(xyz_t, points, new_xyz_t, s2row, w0x, w0p, b0row, B)
    gidx = idx.reshape(M // _CHUNK, _CHUNK)
    g = _sc_gather_rows(p.reshape(B * N, 128), gidx, M)
    st0 = _stats0(g, q)
    y1, st1 = _passb(g, q, st0, g0.reshape(1, 128), be0.reshape(1, 128),
                     W1, b1.reshape(1, 128))
    mx, mn, st2 = _passc(y1, st1, g1.reshape(1, 128), be1.reshape(1, 128),
                         W2, b2.reshape(1, 256))
    new_points = _passd(mx, mn, st2, g2.reshape(1, 256), be2.reshape(1, 256))
    return (new_xyz, new_points)

# --- scband reference (transcript-rebuilt; emitter-appended) ---
"""Pipeline reference for scband-point-net-set-abstraction-70291434766903 (READ-ONLY COPY).

The authoritative reference and input builder live on the scoring server;
editing this copy changes nothing except your own understanding.
"""

import jax, jax.numpy as jnp
import numpy as np

NPOINT = 512
RADIUS = 0.5
NSAMPLE = 32


def index_points(points, idx):
    B = points.shape[0]
    idx_flat = idx.reshape(B, -1)
    out = jnp.take_along_axis(points, idx_flat[:, :, None], axis=1)
    return out.reshape(idx.shape + (points.shape[-1],))


def farthest_point_sample(xyz, npoint):
    # deterministic start index 0 (original uses torch.randint)
    xyz = jax.lax.stop_gradient(xyz)
    B, N, _ = xyz.shape

    def step(carry, _):
        distance, farthest = carry
        centroid = xyz[jnp.arange(B), farthest][:, None, :]
        dist = jnp.sum((xyz - centroid) ** 2, -1)
        distance = jnp.minimum(distance, dist)
        new_far = jnp.argmax(distance, axis=-1).astype(jnp.int32)
        return (distance, new_far), farthest

    init = (jnp.full((B, N), 1e10, dtype=jnp.float32), jnp.zeros((B,), dtype=jnp.int32))
    _, cent = jax.lax.scan(step, init, None, length=npoint)
    return jnp.transpose(cent, (1, 0))


def ball_query(xyz, new_xyz, radius, nsample):
    sq = (jnp.sum(new_xyz ** 2, -1)[:, :, None] + jnp.sum(xyz ** 2, -1)[:, None, :]
          - 2.0 * jnp.einsum('bsc,bnc->bsn', new_xyz, xyz))
    sqrdists = jnp.sqrt(jnp.maximum(sq, 0.0))  # mirrors torch.cdist
    _, group_idx = jax.lax.top_k(-sqrdists, nsample)
    gathered = jnp.take_along_axis(sqrdists, group_idx, axis=-1)
    mask = gathered < radius ** 2
    return jnp.where(mask, group_idx, 0)


def cbr(x, W, b, g, be):
    # 1x1 Conv2d + BatchNorm2d (training-mode batch stats) + ReLU
    y = jnp.einsum('oc,bcns->bons', W, x) + b[None, :, None, None]
    m = jnp.mean(y, axis=(0, 2, 3), keepdims=True)
    v = jnp.var(y, axis=(0, 2, 3), keepdims=True)
    y = (y - m) / jnp.sqrt(v + 1e-5)
    y = y * g[None, :, None, None] + be[None, :, None, None]
    return jax.nn.relu(y)


def setup_inputs(seed: int = 0):
    key = jax.random.key(seed)
    ks = jax.random.split(key, 8)
    B, N, D = 8, 4096, 64
    xyz = jax.random.normal(ks[0], (B, 3, N), dtype=jnp.float32)
    points = jax.random.normal(ks[1], (B, D, N), dtype=jnp.float32)

    def uinit(k, shape, fan_in):
        bound = 1.0 / np.sqrt(fan_in)
        return jax.random.uniform(k, shape, jnp.float32, -bound, bound)

    W0 = uinit(ks[2], (128, 67), 67)
    b0 = uinit(ks[3], (128,), 67)
    W1 = uinit(ks[4], (128, 128), 128)
    b1 = uinit(ks[5], (128,), 128)
    W2 = uinit(ks[6], (256, 128), 128)
    b2 = uinit(ks[7], (256,), 128)
    g0 = jnp.ones((128,), jnp.float32); be0 = jnp.zeros((128,), jnp.float32)
    g1 = jnp.ones((128,), jnp.float32); be1 = jnp.zeros((128,), jnp.float32)
    g2 = jnp.ones((256,), jnp.float32); be2 = jnp.zeros((256,), jnp.float32)
    return {"xyz": xyz, "points": points,
            "W0": W0, "b0": b0, "g0": g0, "be0": be0,
            "W1": W1, "b1": b1, "g1": g1, "be1": be1,
            "W2": W2, "b2": b2, "g2": g2, "be2": be2}


def reference(xyz, points, W0, b0, g0, be0, W1, b1, g1, be1, W2, b2, g2, be2):
    xyz_t = jnp.transpose(xyz, (0, 2, 1))      # [B, N, 3]
    pts_t = jnp.transpose(points, (0, 2, 1))   # [B, N, D]
    fps_idx = farthest_point_sample(xyz_t, NPOINT)        # [B, S]
    new_xyz = index_points(xyz_t, fps_idx)                # [B, S, 3]
    idx = ball_query(xyz_t, new_xyz, RADIUS, NSAMPLE)     # [B, S, ns]
    grouped_xyz = index_points(xyz_t, idx)                # [B, S, ns, 3]
    grouped_xyz_norm = grouped_xyz - new_xyz[:, :, None, :]
    grouped_points = index_points(pts_t, idx)             # [B, S, ns, D]
    new_points = jnp.concatenate([grouped_xyz_norm, grouped_points], axis=-1)
    new_points = jnp.transpose(new_points, (0, 3, 2, 1))  # [B, C+D, ns, S]
    new_points = cbr(new_points, W0, b0, g0, be0)
    new_points = cbr(new_points, W1, b1, g1, be1)
    new_points = cbr(new_points, W2, b2, g2, be2)
    new_points = jnp.max(new_points, axis=2)              # [B, 256, S]
    new_xyz_out = jnp.transpose(new_xyz, (0, 2, 1))       # [B, 3, S]
    return (new_xyz_out, new_points)

if __name__ == "__main__":
    import jax
    _d = setup_inputs()
    print(jax.jit(kernel)(*tuple(_d.values())))

</pallas_src>

<mosaic_0001>
#map = affine_map<(d0, d1) -> (0, 0)>
module attributes {stable_mosaic.version = 14 : i64} {
  func.func @gather_kernel(%arg0: i32, %arg1: i32, %arg2: memref<32768x128xf32, #tpu.memory_space<hbm>>, %arg3: memref<1024x128xi32, #tpu.memory_space<hbm>>, %arg4: memref<131072x128xf32, #tpu.memory_space<hbm>>, %arg5: memref<32x128xi32, #tpu.memory_space<vmem>>, %arg6: memref<128x128xf32, #tpu.memory_space<vmem>>, %arg7: memref<128x128xf32, #tpu.memory_space<vmem>>, %arg8: memref<128x128xf32, #tpu.memory_space<vmem>>, %arg9: memref<128x128xf32, #tpu.memory_space<vmem>>, %arg10: memref<!tpu.dma_semaphore, #tpu.memory_space<semaphore_mem>>, %arg11: memref<!tpu.dma_semaphore, #tpu.memory_space<semaphore_mem>>) attributes {dimension_semantics = [#tpu.dimension_semantics<core_parallel>, #tpu.dimension_semantics<subcore_parallel>], iteration_bounds = array<i64: 2, 16>, scalar_prefetch = 0 : i64, scratch_operands = 7 : i64, tpu.core_type = #tpu.core_type<sc_vector_subcore>, window_params = [{transform_indices = #map}, {transform_indices = #map}, {transform_indices = #map}]} {
    %mul3A = arith.constant 2 : i32
    %mul3A_0 = arith.muli %arg1, %mul3A : i32
    %add3A = arith.addi %mul3A_0, %arg0 : i32
    %mul3A_1 = arith.constant 4096 : i32
    %mul3A_2 = arith.muli %add3A, %mul3A_1 : i32
    %mul3A_3 = arith.constant 32 : i32
    %mul3A_4 = arith.muli %add3A, %mul3A_3 : i32
    "tpu.region"() ({
      %run_scoped3A = tpu.sem_alloc : memref<!tpu.dma_semaphore, #tpu.memory_space<semaphore_mem>>
      %dma_start3A = arith.constant 0 : i32
      %dma_start3A_34 = tpu.memref_slice %arg3[%mul3A_4, %dma_start3A] : memref<1024x128xi32, #tpu.memory_space<hbm>> -> memref<32x128xi32, #tpu.memory_space<hbm>>
      %dma_start3A_35 = arith.constant 0 : i32
      %dma_start3A_36 = tpu.memref_slice %arg3[%mul3A_4, %dma_start3A_35] : memref<1024x128xi32, #tpu.memory_space<hbm>> -> memref<32x128xi32, #tpu.memory_space<hbm>>
      tpu.enqueue_dma source(%dma_start3A_36 : memref<32x128xi32, #tpu.memory_space<hbm>>) target(%arg5 : memref<32x128xi32, #tpu.memory_space<vmem>>) target_semaphore(%run_scoped3A : memref<!tpu.dma_semaphore, #tpu.memory_space<semaphore_mem>>)
      %dma_wait3A_37 = arith.constant 0 : i32
      %dma_wait3A_38 = tpu.memref_slice %arg3[%mul3A_4, %dma_wait3A_37] : memref<1024x128xi32, #tpu.memory_space<hbm>> -> memref<32x128xi32, #tpu.memory_space<hbm>>
      %dma_wait3A_39 = arith.constant 0 : i32
      %dma_wait3A_40 = tpu.memref_slice %arg3[%mul3A_4, %dma_wait3A_39] : memref<1024x128xi32, #tpu.memory_space<hbm>> -> memref<32x128xi32, #tpu.memory_space<hbm>>
      tpu.wait_dma2 semaphore(%run_scoped3A : memref<!tpu.dma_semaphore, #tpu.memory_space<semaphore_mem>>) src(%dma_wait3A_40 : memref<32x128xi32, #tpu.memory_space<hbm>>) dst(%arg5 : memref<32x128xi32, #tpu.memory_space<vmem>>)
      tpu.yield
    }) : () -> ()
    %scan3A = arith.constant 0 : i32
    %scan3A_5 = arith.constant 0 : i32
    %scan3A_6 = arith.constant 8 : i32
    %scan3A_7 = arith.addi %scan3A_5, %scan3A_6 : i32
    %scan3A_8 = arith.constant 1 : i32
    %scan3A_9 = scf.for %scan3A_34 = %scan3A_5 to %scan3A_7 step %scan3A_8 iter_args(%scan3A_35 = %scan3A) -> (i32)  : i32 {
      %gt3A = arith.constant 0 : i32
      %gt3A_36 = arith.cmpi sgt, %scan3A_34, %gt3A : i32
      %convert_element_type3A = arith.extui %gt3A_36 : i1 to i32
      %cond3A = arith.constant 0 : i32
      %cond3A_37 = arith.cmpi ne, %convert_element_type3A, %cond3A : i32
      scf.if %cond3A_37 {
        %sub3A = arith.constant 1 : i32
        %sub3A_146 = arith.subi %scan3A_34, %sub3A : i32
        %mul3A_147 = arith.constant 4 : i32
        %mul3A_148 = arith.muli %sub3A_146, %mul3A_147 : i32
        %add3A_149 = arith.constant 0 : i32
        %add3A_150 = arith.addi %mul3A_148, %add3A_149 : i32
        %mul3A_151 = arith.constant 128 : i32
        %mul3A_152 = arith.muli %add3A_150, %mul3A_151 : i32
        %add3A_153 = arith.addi %mul3A_2, %mul3A_152 : i32
        %dma_wait3A_154 = arith.constant 0 : i32
        %dma_wait3A_155 = tpu.memref_slice %arg4[%add3A_153, %dma_wait3A_154] : memref<131072x128xf32, #tpu.memory_space<hbm>> -> memref<128x128xf32, #tpu.memory_space<hbm>>
        %dma_wait3A_156 = arith.constant 0 : i32
        %dma_wait3A_157 = tpu.memref_slice %arg4[%add3A_153, %dma_wait3A_156] : memref<131072x128xf32, #tpu.memory_space<hbm>> -> memref<128x128xf32, #tpu.memory_space<hbm>>
        tpu.wait_dma2 semaphore(%arg11 : memref<!tpu.dma_semaphore, #tpu.memory_space<semaphore_mem>>) src(%arg6 : memref<128x128xf32, #tpu.memory_space<vmem>>) dst(%dma_wait3A_157 : memref<128x128xf32, #tpu.memory_space<hbm>>)
        %sub3A_158 = arith.constant 1 : i32
        %sub3A_159 = arith.subi %scan3A_34, %sub3A_158 : i32
        %mul3A_160 = arith.constant 4 : i32
        %mul3A_161 = arith.muli %sub3A_159, %mul3A_160 : i32
        %add3A_162 = arith.constant 1 : i32
        %add3A_163 = arith.addi %mul3A_161, %add3A_162 : i32
        %mul3A_164 = arith.constant 128 : i32
        %mul3A_165 = arith.muli %add3A_163, %mul3A_164 : i32
        %add3A_166 = arith.addi %mul3A_2, %mul3A_165 : i32
        %dma_wait3A_167 = arith.constant 0 : i32
        %dma_wait3A_168 = tpu.memref_slice %arg4[%add3A_166, %dma_wait3A_167] : memref<131072x128xf32, #tpu.memory_space<hbm>> -> memref<128x128xf32, #tpu.memory_space<hbm>>
        %dma_wait3A_169 = arith.constant 0 : i32
        %dma_wait3A_170 = tpu.memref_slice %arg4[%add3A_166, %dma_wait3A_169] : memref<131072x128xf32, #tpu.memory_space<hbm>> -> memref<128x128xf32, #tpu.memory_space<hbm>>
        tpu.wait_dma2 semaphore(%arg11 : memref<!tpu.dma_semaphore, #tpu.memory_space<semaphore_mem>>) src(%arg7 : memref<128x128xf32, #tpu.memory_space<vmem>>) dst(%dma_wait3A_170 : memref<128x128xf32, #tpu.memory_space<hbm>>)
        %sub3A_171 = arith.constant 1 : i32
        %sub3A_172 = arith.subi %scan3A_34, %sub3A_171 : i32
        %mul3A_173 = arith.constant 4 : i32
        %mul3A_174 = arith.muli %sub3A_172, %mul3A_173 : i32
        %add3A_175 = arith.constant 2 : i32
        %add3A_176 = arith.addi %mul3A_174, %add3A_175 : i32
        %mul3A_177 = arith.constant 128 : i32
        %mul3A_178 = arith.muli %add3A_176, %mul3A_177 : i32
        %add3A_179 = arith.addi %mul3A_2, %mul3A_178 : i32
        %dma_wait3A_180 = arith.constant 0 : i32
        %dma_wait3A_181 = tpu.memref_slice %arg4[%add3A_179, %dma_wait3A_180] : memref<131072x128xf32, #tpu.memory_space<hbm>> -> memref<128x128xf32, #tpu.memory_space<hbm>>
        %dma_wait3A_182 = arith.constant 0 : i32
        %dma_wait3A_183 = tpu.memref_slice %arg4[%add3A_179, %dma_wait3A_182] : memref<131072x128xf32, #tpu.memory_space<hbm>> -> memref<128x128xf32, #tpu.memory_space<hbm>>
        tpu.wait_dma2 semaphore(%arg11 : memref<!tpu.dma_semaphore, #tpu.memory_space<semaphore_mem>>) src(%arg8 : memref<128x128xf32, #tpu.memory_space<vmem>>) dst(%dma_wait3A_183 : memref<128x128xf32, #tpu.memory_space<hbm>>)
        %sub3A_184 = arith.constant 1 : i32
        %sub3A_185 = arith.subi %scan3A_34, %sub3A_184 : i32
        %mul3A_186 = arith.constant 4 : i32
        %mul3A_187 = arith.muli %sub3A_185, %mul3A_186 : i32
        %add3A_188 = arith.constant 3 : i32
        %add3A_189 = arith.addi %mul3A_187, %add3A_188 : i32
        %mul3A_190 = arith.constant 128 : i32
        %mul3A_191 = arith.muli %add3A_189, %mul3A_190 : i32
        %add3A_192 = arith.addi %mul3A_2, %mul3A_191 : i32
        %dma_wait3A_193 = arith.constant 0 : i32
        %dma_wait3A_194 = tpu.memref_slice %arg4[%add3A_192, %dma_wait3A_193] : memref<131072x128xf32, #tpu.memory_space<hbm>> -> memref<128x128xf32, #tpu.memory_space<hbm>>
        %dma_wait3A_195 = arith.constant 0 : i32
        %dma_wait3A_196 = tpu.memref_slice %arg4[%add3A_192, %dma_wait3A_195] : memref<131072x128xf32, #tpu.memory_space<hbm>> -> memref<128x128xf32, #tpu.memory_space<hbm>>
        tpu.wait_dma2 semaphore(%arg11 : memref<!tpu.dma_semaphore, #tpu.memory_space<semaphore_mem>>) src(%arg9 : memref<128x128xf32, #tpu.memory_space<vmem>>) dst(%dma_wait3A_196 : memref<128x128xf32, #tpu.memory_space<hbm>>)
      } else {
      }
      %mul3A_38 = arith.constant 4 : i32
      %mul3A_39 = arith.muli %scan3A_34, %mul3A_38 : i32
      %add3A_40 = arith.constant 0 : i32
      %add3A_41 = arith.addi %mul3A_39, %add3A_40 : i32
      %dma_start3A = arith.constant 0 : i32
      %dma_start3A_42 = tpu.memref_slice %arg5[%add3A_41, %dma_start3A] : memref<32x128xi32, #tpu.memory_space<vmem>> -> memref<1x128xi32, #tpu.memory_space<vmem>>
      %dma_start3A_43 = tpu.memref_squeeze %dma_start3A_42 : memref<1x128xi32, #tpu.memory_space<vmem>> -> memref<128xi32, #tpu.memory_space<vmem>>
      %dma_start3A_44 = arith.constant 0 : i32
      %dma_start3A_45 = arith.constant 0 : i32
      %dma_start3A_46 = tpu.memref_slice %arg2[%dma_start3A_44, %dma_start3A_45] : memref<32768x128xf32, #tpu.memory_space<hbm>> -> memref<32768x128xf32, #tpu.memory_space<hbm>>
      tpu.enqueue_indirect_dma source(%dma_start3A_46 : memref<32768x128xf32, #tpu.memory_space<hbm>>) target(%arg6 : memref<128x128xf32, #tpu.memory_space<vmem>>) offsets(%dma_start3A_43 : memref<128xi32, #tpu.memory_space<vmem>>) semaphore(%arg10 : memref<!tpu.dma_semaphore, #tpu.memory_space<semaphore_mem>>)
      %mul3A_47 = arith.constant 4 : i32
      %mul3A_48 = arith.muli %scan3A_34, %mul3A_47 : i32
      %add3A_49 = arith.constant 1 : i32
      %add3A_50 = arith.addi %mul3A_48, %add3A_49 : i32
      %dma_start3A_51 = arith.constant 0 : i32
      %dma_start3A_52 = tpu.memref_slice %arg5[%add3A_50, %dma_start3A_51] : memref<32x128xi32, #tpu.memory_space<vmem>> -> memref<1x128xi32, #tpu.memory_space<vmem>>
      %dma_start3A_53 = tpu.memref_squeeze %dma_start3A_52 : memref<1x128xi32, #tpu.memory_space<vmem>> -> memref<128xi32, #tpu.memory_space<vmem>>
      %dma_start3A_54 = arith.constant 0 : i32
      %dma_start3A_55 = arith.constant 0 : i32
      %dma_start3A_56 = tpu.memref_slice %arg2[%dma_start3A_54, %dma_start3A_55] : memref<32768x128xf32, #tpu.memory_space<hbm>> -> memref<32768x128xf32, #tpu.memory_space<hbm>>
      tpu.enqueue_indirect_dma source(%dma_start3A_56 : memref<32768x128xf32, #tpu.memory_space<hbm>>) target(%arg7 : memref<128x128xf32, #tpu.memory_space<vmem>>) offsets(%dma_start3A_53 : memref<128xi32, #tpu.memory_space<vmem>>) semaphore(%arg10 : memref<!tpu.dma_semaphore, #tpu.memory_space<semaphore_mem>>)
      %mul3A_57 = arith.constant 4 : i32
      %mul3A_58 = arith.muli %scan3A_34, %mul3A_57 : i32
      %add3A_59 = arith.constant 2 : i32
      %add3A_60 = arith.addi %mul3A_58, %add3A_59 : i32
      %dma_start3A_61 = arith.constant 0 : i32
      %dma_start3A_62 = tpu.memref_slice %arg5[%add3A_60, %dma_start3A_61] : memref<32x128xi32, #tpu.memory_space<vmem>> -> memref<1x128xi32, #tpu.memory_space<vmem>>
      %dma_start3A_63 = tpu.memref_squeeze %dma_start3A_62 : memref<1x128xi32, #tpu.memory_space<vmem>> -> memref<128xi32, #tpu.memory_space<vmem>>
      %dma_start3A_64 = arith.constant 0 : i32
      %dma_start3A_65 = arith.constant 0 : i32
      %dma_start3A_66 = tpu.memref_slice %arg2[%dma_start3A_64, %dma_start3A_65] : memref<32768x128xf32, #tpu.memory_space<hbm>> -> memref<32768x128xf32, #tpu.memory_space<hbm>>
      tpu.enqueue_indirect_dma source(%dma_start3A_66 : memref<32768x128xf32, #tpu.memory_space<hbm>>) target(%arg8 : memref<128x128xf32, #tpu.memory_space<vmem>>) offsets(%dma_start3A_63 : memref<128xi32, #tpu.memory_space<vmem>>) semaphore(%arg10 : memref<!tpu.dma_semaphore, #tpu.memory_space<semaphore_mem>>)
      %mul3A_67 = arith.constant 4 : i32
      %mul3A_68 = arith.muli %scan3A_34, %mul3A_67 : i32
      %add3A_69 = arith.constant 3 : i32
      %add3A_70 = arith.addi %mul3A_68, %add3A_69 : i32
      %dma_start3A_71 = arith.constant 0 : i32
      %dma_start3A_72 = tpu.memref_slice %arg5[%add3A_70, %dma_start3A_71] : memref<32x128xi32, #tpu.memory_space<vmem>> -> memref<1x128xi32, #tpu.memory_space<vmem>>
      %dma_start3A_73 = tpu.memref_squeeze %dma_start3A_72 : memref<1x128xi32, #tpu.memory_space<vmem>> -> memref<128xi32, #tpu.memory_space<vmem>>
      %dma_start3A_74 = arith.constant 0 : i32
      %dma_start3A_75 = arith.constant 0 : i32
      %dma_start3A_76 = tpu.memref_slice %arg2[%dma_start3A_74, %dma_start3A_75] : memref<32768x128xf32, #tpu.memory_space<hbm>> -> memref<32768x128xf32, #tpu.memory_space<hbm>>
      tpu.enqueue_indirect_dma source(%dma_start3A_76 : memref<32768x128xf32, #tpu.memory_space<hbm>>) target(%arg9 : memref<128x128xf32, #tpu.memory_space<vmem>>) offsets(%dma_start3A_73 : memref<128xi32, #tpu.memory_space<vmem>>) semaphore(%arg10 : memref<!tpu.dma_semaphore, #tpu.memory_space<semaphore_mem>>)
      %mul3A_77 = arith.constant 4 : i32
      %mul3A_78 = arith.muli %scan3A_34, %mul3A_77 : i32
      %add3A_79 = arith.constant 0 : i32
      %add3A_80 = arith.addi %mul3A_78, %add3A_79 : i32
      %dma_wait3A_81 = arith.constant 0 : i32
      %dma_wait3A_82 = tpu.memref_slice %arg5[%add3A_80, %dma_wait3A_81] : memref<32x128xi32, #tpu.memory_space<vmem>> -> memref<1x128xi32, #tpu.memory_space<vmem>>
      %dma_wait3A_83 = tpu.memref_squeeze %dma_wait3A_82 : memref<1x128xi32, #tpu.memory_space<vmem>> -> memref<128xi32, #tpu.memory_space<vmem>>
      %dma_wait3A_84 = arith.constant 0 : i32
      %dma_wait3A_85 = arith.constant 0 : i32
      %dma_wait3A_86 = tpu.memref_slice %arg2[%dma_wait3A_84, %dma_wait3A_85] : memref<32768x128xf32, #tpu.memory_space<hbm>> -> memref<32768x128xf32, #tpu.memory_space<hbm>>
      tpu.wait_indirect_dma semaphore(%arg10 : memref<!tpu.dma_semaphore, #tpu.memory_space<semaphore_mem>>) src(%dma_wait3A_86 : memref<32768x128xf32, #tpu.memory_space<hbm>>) dst(%arg6 : memref<128x128xf32, #tpu.memory_space<vmem>>)
      %mul3A_87 = arith.constant 128 : i32
      %mul3A_88 = arith.muli %add3A_80, %mul3A_87 : i32
      %add3A_89 = arith.addi %mul3A_2, %mul3A_88 : i32
      %dma_start3A_90 = arith.constant 0 : i32
      %dma_start3A_91 = tpu.memref_slice %arg4[%add3A_89, %dma_start3A_90] : memref<131072x128xf32, #tpu.memory_space<hbm>> -> memref<128x128xf32, #tpu.memory_space<hbm>>
      %dma_start3A_92 = arith.constant 0 : i32
      %dma_start3A_93 = tpu.memref_slice %arg4[%add3A_89, %dma_start3A_92] : memref<131072x128xf32, #tpu.memory_space<hbm>> -> memref<128x128xf32, #tpu.memory_space<hbm>>
      tpu.enqueue_dma source(%arg6 : memref<128x128xf32, #tpu.memory_space<vmem>>) target(%dma_start3A_93 : memref<128x128xf32, #tpu.memory_space<hbm>>) target_semaphore(%arg11 : memref<!tpu.dma_semaphore, #tpu.memory_space<semaphore_mem>>)
      %mul3A_94 = arith.constant 4 : i32
      %mul3A_95 = arith.muli %scan3A_34, %mul3A_94 : i32
      %add3A_96 = arith.constant 1 : i32
      %add3A_97 = arith.addi %mul3A_95, %add3A_96 : i32
      %dma_wait3A_98 = arith.constant 0 : i32
      %dma_wait3A_99 = tpu.memref_slice %arg5[%add3A_97, %dma_wait3A_98] : memref<32x128xi32, #tpu.memory_space<vmem>> -> memref<1x128xi32, #tpu.memory_space<vmem>>
      %dma_wait3A_100 = tpu.memref_squeeze %dma_wait3A_99 : memref<1x128xi32, #tpu.memory_space<vmem>> -> memref<128xi32, #tpu.memory_space<vmem>>
      %dma_wait3A_101 = arith.constant 0 : i32
      %dma_wait3A_102 = arith.constant 0 : i32
      %dma_wait3A_103 = tpu.memref_slice %arg2[%dma_wait3A_101, %dma_wait3A_102] : memref<32768x128xf32, #tpu.memory_space<hbm>> -> memref<32768x128xf32, #tpu.memory_space<hbm>>
      tpu.wait_indirect_dma semaphore(%arg10 : memref<!tpu.dma_semaphore, #tpu.memory_space<semaphore_mem>>) src(%dma_wait3A_103 : memref<32768x128xf32, #tpu.memory_space<hbm>>) dst(%arg7 : memref<128x128xf32, #tpu.memory_space<vmem>>)
      %mul3A_104 = arith.constant 128 : i32
      %mul3A_105 = arith.muli %add3A_97, %mul3A_104 : i32
      %add3A_106 = arith.addi %mul3A_2, %mul3A_105 : i32
      %dma_start3A_107 = arith.constant 0 : i32
      %dma_start3A_108 = tpu.memref_slice %arg4[%add3A_106, %dma_start3A_107] : memref<131072x128xf32, #tpu.memory_space<hbm>> -> memref<128x128xf32, #tpu.memory_space<hbm>>
      %dma_start3A_109 = arith.constant 0 : i32
      %dma_start3A_110 = tpu.memref_slice %arg4[%add3A_106, %dma_start3A_109] : memref<131072x128xf32, #tpu.memory_space<hbm>> -> memref<128x128xf32, #tpu.memory_space<hbm>>
      tpu.enqueue_dma source(%arg7 : memref<128x128xf32, #tpu.memory_space<vmem>>) target(%dma_start3A_110 : memref<128x128xf32, #tpu.memory_space<hbm>>) target_semaphore(%arg11 : memref<!tpu.dma_semaphore, #tpu.memory_space<semaphore_mem>>)
      %mul3A_111 = arith.constant 4 : i32
      %mul3A_112 = arith.muli %scan3A_34, %mul3A_111 : i32
      %add3A_113 = arith.constant 2 : i32
      %add3A_114 = arith.addi %mul3A_112, %add3A_113 : i32
      %dma_wait3A_115 = arith.constant 0 : i32
      %dma_wait3A_116 = tpu.memref_slice %arg5[%add3A_114, %dma_wait3A_115] : memref<32x128xi32, #tpu.memory_space<vmem>> -> memref<1x128xi32, #tpu.memory_space<vmem>>
      %dma_wait3A_117 = tpu.memref_squeeze %dma_wait3A_116 : memref<1x128xi32, #tpu.memory_space<vmem>> -> memref<128xi32, #tpu.memory_space<vmem>>
      %dma_wait3A_118 = arith.constant 0 : i32
      %dma_wait3A_119 = arith.constant 0 : i32
      %dma_wait3A_120 = tpu.memref_slice %arg2[%dma_wait3A_118, %dma_wait3A_119] : memref<32768x128xf32, #tpu.memory_space<hbm>> -> memref<32768x128xf32, #tpu.memory_space<hbm>>
      tpu.wait_indirect_dma semaphore(%arg10 : memref<!tpu.dma_semaphore, #tpu.memory_space<semaphore_mem>>) src(%dma_wait3A_120 : memref<32768x128xf32, #tpu.memory_space<hbm>>) dst(%arg8 : memref<128x128xf32, #tpu.memory_space<vmem>>)
      %mul3A_121 = arith.constant 128 : i32
      %mul3A_122 = arith.muli %add3A_114, %mul3A_121 : i32
      %add3A_123 = arith.addi %mul3A_2, %mul3A_122 : i32
      %dma_start3A_124 = arith.constant 0 : i32
      %dma_start3A_125 = tpu.memref_slice %arg4[%add3A_123, %dma_start3A_124] : memref<131072x128xf32, #tpu.memory_space<hbm>> -> memref<128x128xf32, #tpu.memory_space<hbm>>
      %dma_start3A_126 = arith.constant 0 : i32
      %dma_start3A_127 = tpu.memref_slice %arg4[%add3A_123, %dma_start3A_126] : memref<131072x128xf32, #tpu.memory_space<hbm>> -> memref<128x128xf32, #tpu.memory_space<hbm>>
      tpu.enqueue_dma source(%arg8 : memref<128x128xf32, #tpu.memory_space<vmem>>) target(%dma_start3A_127 : memref<128x128xf32, #tpu.memory_space<hbm>>) target_semaphore(%arg11 : memref<!tpu.dma_semaphore, #tpu.memory_space<semaphore_mem>>)
      %mul3A_128 = arith.constant 4 : i32
      %mul3A_129 = arith.muli %scan3A_34, %mul3A_128 : i32
      %add3A_130 = arith.constant 3 : i32
      %add3A_131 = arith.addi %mul3A_129, %add3A_130 : i32
      %dma_wait3A_132 = arith.constant 0 : i32
      %dma_wait3A_133 = tpu.memref_slice %arg5[%add3A_131, %dma_wait3A_132] : memref<32x128xi32, #tpu.memory_space<vmem>> -> memref<1x128xi32, #tpu.memory_space<vmem>>
      %dma_wait3A_134 = tpu.memref_squeeze %dma_wait3A_133 : memref<1x128xi32, #tpu.memory_space<vmem>> -> memref<128xi32, #tpu.memory_space<vmem>>
      %dma_wait3A_135 = arith.constant 0 : i32
      %dma_wait3A_136 = arith.constant 0 : i32
      %dma_wait3A_137 = tpu.memref_slice %arg2[%dma_wait3A_135, %dma_wait3A_136] : memref<32768x128xf32, #tpu.memory_space<hbm>> -> memref<32768x128xf32, #tpu.memory_space<hbm>>
      tpu.wait_indirect_dma semaphore(%arg10 : memref<!tpu.dma_semaphore, #tpu.memory_space<semaphore_mem>>) src(%dma_wait3A_137 : memref<32768x128xf32, #tpu.memory_space<hbm>>) dst(%arg9 : memref<128x128xf32, #tpu.memory_space<vmem>>)
      %mul3A_138 = arith.constant 128 : i32
      %mul3A_139 = arith.muli %add3A_131, %mul3A_138 : i32
      %add3A_140 = arith.addi %mul3A_2, %mul3A_139 : i32
      %dma_start3A_141 = arith.constant 0 : i32
      %dma_start3A_142 = tpu.memref_slice %arg4[%add3A_140, %dma_start3A_141] : memref<131072x128xf32, #tpu.memory_space<hbm>> -> memref<128x128xf32, #tpu.memory_space<hbm>>
      %dma_start3A_143 = arith.constant 0 : i32
      %dma_start3A_144 = tpu.memref_slice %arg4[%add3A_140, %dma_start3A_143] : memref<131072x128xf32, #tpu.memory_space<hbm>> -> memref<128x128xf32, #tpu.memory_space<hbm>>
      tpu.enqueue_dma source(%arg9 : memref<128x128xf32, #tpu.memory_space<vmem>>) target(%dma_start3A_144 : memref<128x128xf32, #tpu.memory_space<hbm>>) target_semaphore(%arg11 : memref<!tpu.dma_semaphore, #tpu.memory_space<semaphore_mem>>)
      %scan3A_145 = arith.constant 0 : i32
      scf.yield %scan3A_145 : i32
    }
    %scan3A_10 = arith.constant 8 : i32
    %add3A_11 = arith.constant 3584 : i32
    %add3A_12 = arith.addi %mul3A_2, %add3A_11 : i32
    %dma_wait3A = arith.constant 0 : i32
    %dma_wait3A_13 = tpu.memref_slice %arg4[%add3A_12, %dma_wait3A] : memref<131072x128xf32, #tpu.memory_space<hbm>> -> memref<128x128xf32, #tpu.memory_space<hbm>>
    %dma_wait3A_14 = arith.constant 0 : i32
    %dma_wait3A_15 = tpu.memref_slice %arg4[%add3A_12, %dma_wait3A_14] : memref<131072x128xf32, #tpu.memory_space<hbm>> -> memref<128x128xf32, #tpu.memory_space<hbm>>
    tpu.wait_dma2 semaphore(%arg11 : memref<!tpu.dma_semaphore, #tpu.memory_space<semaphore_mem>>) src(%arg6 : memref<128x128xf32, #tpu.memory_space<vmem>>) dst(%dma_wait3A_15 : memref<128x128xf32, #tpu.memory_space<hbm>>)
    %add3A_16 = arith.constant 3712 : i32
    %add3A_17 = arith.addi %mul3A_2, %add3A_16 : i32
    %dma_wait3A_18 = arith.constant 0 : i32
    %dma_wait3A_19 = tpu.memref_slice %arg4[%add3A_17, %dma_wait3A_18] : memref<131072x128xf32, #tpu.memory_space<hbm>> -> memref<128x128xf32, #tpu.memory_space<hbm>>
    %dma_wait3A_20 = arith.constant 0 : i32
    %dma_wait3A_21 = tpu.memref_slice %arg4[%add3A_17, %dma_wait3A_20] : memref<131072x128xf32, #tpu.memory_space<hbm>> -> memref<128x128xf32, #tpu.memory_space<hbm>>
    tpu.wait_dma2 semaphore(%arg11 : memref<!tpu.dma_semaphore, #tpu.memory_space<semaphore_mem>>) src(%arg7 : memref<128x128xf32, #tpu.memory_space<vmem>>) dst(%dma_wait3A_21 : memref<128x128xf32, #tpu.memory_space<hbm>>)
    %add3A_22 = arith.constant 3840 : i32
    %add3A_23 = arith.addi %mul3A_2, %add3A_22 : i32
    %dma_wait3A_24 = arith.constant 0 : i32
    %dma_wait3A_25 = tpu.memref_slice %arg4[%add3A_23, %dma_wait3A_24] : memref<131072x128xf32, #tpu.memory_space<hbm>> -> memref<128x128xf32, #tpu.memory_space<hbm>>
    %dma_wait3A_26 = arith.constant 0 : i32
    %dma_wait3A_27 = tpu.memref_slice %arg4[%add3A_23, %dma_wait3A_26] : memref<131072x128xf32, #tpu.memory_space<hbm>> -> memref<128x128xf32, #tpu.memory_space<hbm>>
    tpu.wait_dma2 semaphore(%arg11 : memref<!tpu.dma_semaphore, #tpu.memory_space<semaphore_mem>>) src(%arg8 : memref<128x128xf32, #tpu.memory_space<vmem>>) dst(%dma_wait3A_27 : memref<128x128xf32, #tpu.memory_space<hbm>>)
    %add3A_28 = arith.constant 3968 : i32
    %add3A_29 = arith.addi %mul3A_2, %add3A_28 : i32
    %dma_wait3A_30 = arith.constant 0 : i32
    %dma_wait3A_31 = tpu.memref_slice %arg4[%add3A_29, %dma_wait3A_30] : memref<131072x128xf32, #tpu.memory_space<hbm>> -> memref<128x128xf32, #tpu.memory_space<hbm>>
    %dma_wait3A_32 = arith.constant 0 : i32
    %dma_wait3A_33 = tpu.memref_slice %arg4[%add3A_29, %dma_wait3A_32] : memref<131072x128xf32, #tpu.memory_space<hbm>> -> memref<128x128xf32, #tpu.memory_space<hbm>>
    tpu.wait_dma2 semaphore(%arg11 : memref<!tpu.dma_semaphore, #tpu.memory_space<semaphore_mem>>) src(%arg9 : memref<128x128xf32, #tpu.memory_space<vmem>>) dst(%dma_wait3A_33 : memref<128x128xf32, #tpu.memory_space<hbm>>)
    return
  }
}

module attributes {stable_mosaic.version = 14 : i64} {
  func.func @_fps_body(%arg0: memref<8x3x4096xf32, #tpu.memory_space<vmem>>, %arg1: memref<8x4x512xf32, #tpu.memory_space<vmem>>) attributes {dimension_semantics = [], scalar_prefetch = 0 : i64, scratch_operands = 0 : i64, tpu.core_type = #tpu.core_type<tc>} {
    %get3A = arith.constant 0 : index
    %get3A_0 = arith.constant 0 : index
    %get3A_1 = arith.constant 0 : index
    %get3A_2 = vector.load %arg0[%get3A, %get3A_0, %get3A_1] : memref<8x3x4096xf32, #tpu.memory_space<vmem>>, vector<8x1x4096xf32>
    %get3A_3 = vector.shape_cast %get3A_2 : vector<8x1x4096xf32> to vector<8x4096xf32>
    %get3A_4 = arith.constant 0 : index
    %get3A_5 = arith.constant 1 : index
    %get3A_6 = arith.constant 0 : index
    %get3A_7 = vector.load %arg0[%get3A_4, %get3A_5, %get3A_6] : memref<8x3x4096xf32, #tpu.memory_space<vmem>>, vector<8x1x4096xf32>
    %get3A_8 = vector.shape_cast %get3A_7 : vector<8x1x4096xf32> to vector<8x4096xf32>
    %get3A_9 = arith.constant 0 : index
    %get3A_10 = arith.constant 2 : index
    %get3A_11 = arith.constant 0 : index
    %get3A_12 = vector.load %arg0[%get3A_9, %get3A_10, %get3A_11] : memref<8x3x4096xf32, #tpu.memory_space<vmem>>, vector<8x1x4096xf32>
    %get3A_13 = vector.shape_cast %get3A_12 : vector<8x1x4096xf32> to vector<8x4096xf32>
    %iota3A = tpu.iota {dimensions = array<i32: 1>} : vector<8x4096xi32>
    %iota3A_14 = tpu.iota {dimensions = array<i32: 1>} : vector<8x512xi32>
    %broadcast_in_dim3A = arith.constant 1.000000e+10 : f32
    %broadcast_in_dim3A_15 = vector.broadcast %broadcast_in_dim3A : f32 to vector<8x4096xf32>
    %broadcast_in_dim3A_16 = arith.constant 0 : i32
    %broadcast_in_dim3A_17 = vector.broadcast %broadcast_in_dim3A_16 : i32 to vector<8x1xi32>
    %broadcast_in_dim3A_18 = arith.constant 0.000000e+00 : f32
    %broadcast_in_dim3A_19 = vector.broadcast %broadcast_in_dim3A_18 : f32 to vector<8x512xf32>
    %broadcast_in_dim3A_20 = arith.constant 0.000000e+00 : f32
    %broadcast_in_dim3A_21 = vector.broadcast %broadcast_in_dim3A_20 : f32 to vector<8x512xf32>
    %broadcast_in_dim3A_22 = arith.constant 0.000000e+00 : f32
    %broadcast_in_dim3A_23 = vector.broadcast %broadcast_in_dim3A_22 : f32 to vector<8x512xf32>
    %broadcast_in_dim3A_24 = arith.constant 0.000000e+00 : f32
    %broadcast_in_dim3A_25 = vector.broadcast %broadcast_in_dim3A_24 : f32 to vector<8x512xf32>
    %scan3A = arith.constant 0 : i32
    %scan3A_26 = arith.constant 512 : i32
    %scan3A_27 = arith.addi %scan3A, %scan3A_26 : i32
    %scan3A_28 = arith.constant 1 : i32
    %scan3A_29:6 = scf.for %scan3A_54 = %scan3A to %scan3A_27 step %scan3A_28 iter_args(%scan3A_55 = %broadcast_in_dim3A_15, %scan3A_56 = %broadcast_in_dim3A_17, %scan3A_57 = %broadcast_in_dim3A_19, %scan3A_58 = %broadcast_in_dim3A_21, %scan3A_59 = %broadcast_in_dim3A_23, %scan3A_60 = %broadcast_in_dim3A_25) -> (vector<8x4096xf32>, vector<8x1xi32>, vector<8x512xf32>, vector<8x512xf32>, vector<8x512xf32>, vector<8x512xf32>)  : i32 {
      %eq3A = vector.broadcast %scan3A_56 : vector<8x1xi32> to vector<8x4096xi32>
      %eq3A_61 = arith.cmpi eq, %iota3A, %eq3A : vector<8x4096xi32>
      %jit3A = arith.constant 0.000000e+00 : f32
      %broadcast_in_dim3A_62 = vector.broadcast %jit3A : f32 to vector<8x4096xf32>
      %select_n3A = arith.select %eq3A_61, %get3A_3, %broadcast_in_dim3A_62 : vector<8x4096xi1>, vector<8x4096xf32>
      %reduce_sum3A = arith.constant dense<0.000000e+00> : vector<8xf32>
      %reduce_sum3A_63 = vector.multi_reduction <add>, %select_n3A, %reduce_sum3A [1] : vector<8x4096xf32> to vector<8xf32>
      %broadcast_in_dim3A_64 = vector.shape_cast %reduce_sum3A_63 : vector<8xf32> to vector<8x1xf32>
      %jit3A_65 = arith.constant 0.000000e+00 : f32
      %broadcast_in_dim3A_66 = vector.broadcast %jit3A_65 : f32 to vector<8x4096xf32>
      %select_n3A_67 = arith.select %eq3A_61, %get3A_8, %broadcast_in_dim3A_66 : vector<8x4096xi1>, vector<8x4096xf32>
      %reduce_sum3A_68 = arith.constant dense<0.000000e+00> : vector<8xf32>
      %reduce_sum3A_69 = vector.multi_reduction <add>, %select_n3A_67, %reduce_sum3A_68 [1] : vector<8x4096xf32> to vector<8xf32>
      %broadcast_in_dim3A_70 = vector.shape_cast %reduce_sum3A_69 : vector<8xf32> to vector<8x1xf32>
      %jit3A_71 = arith.constant 0.000000e+00 : f32
      %broadcast_in_dim3A_72 = vector.broadcast %jit3A_71 : f32 to vector<8x4096xf32>
      %select_n3A_73 = arith.select %eq3A_61, %get3A_13, %broadcast_in_dim3A_72 : vector<8x4096xi1>, vector<8x4096xf32>
      %reduce_sum3A_74 = arith.constant dense<0.000000e+00> : vector<8xf32>
      %reduce_sum3A_75 = vector.multi_reduction <add>, %select_n3A_73, %reduce_sum3A_74 [1] : vector<8x4096xf32> to vector<8xf32>
      %broadcast_in_dim3A_76 = vector.shape_cast %reduce_sum3A_75 : vector<8xf32> to vector<8x1xf32>
      %eq3A_77 = vector.broadcast %scan3A_54 : i32 to vector<8x512xi32>
      %eq3A_78 = arith.cmpi eq, %iota3A_14, %eq3A_77 : vector<8x512xi32>
      %broadcast_in_dim3A_79 = vector.shape_cast %broadcast_in_dim3A_64 : vector<8x1xf32> to vector<8x1xf32>
      %broadcast_in_dim3A_80 = vector.broadcast %broadcast_in_dim3A_79 : vector<8x1xf32> to vector<8x512xf32>
      %select_n3A_81 = arith.select %eq3A_78, %broadcast_in_dim3A_80, %scan3A_57 : vector<8x512xi1>, vector<8x512xf32>
      %broadcast_in_dim3A_82 = vector.shape_cast %broadcast_in_dim3A_70 : vector<8x1xf32> to vector<8x1xf32>
      %broadcast_in_dim3A_83 = vector.broadcast %broadcast_in_dim3A_82 : vector<8x1xf32> to vector<8x512xf32>
      %select_n3A_84 = arith.select %eq3A_78, %broadcast_in_dim3A_83, %scan3A_58 : vector<8x512xi1>, vector<8x512xf32>
      %broadcast_in_dim3A_85 = vector.shape_cast %broadcast_in_dim3A_76 : vector<8x1xf32> to vector<8x1xf32>
      %broadcast_in_dim3A_86 = vector.broadcast %broadcast_in_dim3A_85 : vector<8x1xf32> to vector<8x512xf32>
      %select_n3A_87 = arith.select %eq3A_78, %broadcast_in_dim3A_86, %scan3A_59 : vector<8x512xi1>, vector<8x512xf32>
      %mul3A = arith.mulf %broadcast_in_dim3A_64, %broadcast_in_dim3A_64 : vector<8x1xf32>
      %mul3A_88 = arith.mulf %broadcast_in_dim3A_70, %broadcast_in_dim3A_70 : vector<8x1xf32>
      %add3A = arith.addf %mul3A, %mul3A_88 : vector<8x1xf32>
      %mul3A_89 = arith.mulf %broadcast_in_dim3A_76, %broadcast_in_dim3A_76 : vector<8x1xf32>
      %add3A_90 = arith.addf %add3A, %mul3A_89 : vector<8x1xf32>
      %broadcast_in_dim3A_91 = vector.shape_cast %add3A_90 : vector<8x1xf32> to vector<8x1xf32>
      %broadcast_in_dim3A_92 = vector.broadcast %broadcast_in_dim3A_91 : vector<8x1xf32> to vector<8x512xf32>
      %select_n3A_93 = arith.select %eq3A_78, %broadcast_in_dim3A_92, %scan3A_60 : vector<8x512xi1>, vector<8x512xf32>
      %sub3A = vector.broadcast %broadcast_in_dim3A_64 : vector<8x1xf32> to vector<8x4096xf32>
      %sub3A_94 = arith.subf %get3A_3, %sub3A : vector<8x4096xf32>
      %integer_pow3A = arith.mulf %sub3A_94, %sub3A_94 : vector<8x4096xf32>
      %sub3A_95 = vector.broadcast %broadcast_in_dim3A_70 : vector<8x1xf32> to vector<8x4096xf32>
      %sub3A_96 = arith.subf %get3A_8, %sub3A_95 : vector<8x4096xf32>
      %integer_pow3A_97 = arith.mulf %sub3A_96, %sub3A_96 : vector<8x4096xf32>
      %add3A_98 = arith.addf %integer_pow3A, %integer_pow3A_97 : vector<8x4096xf32>
      %sub3A_99 = vector.broadcast %broadcast_in_dim3A_76 : vector<8x1xf32> to vector<8x4096xf32>
      %sub3A_100 = arith.subf %get3A_13, %sub3A_99 : vector<8x4096xf32>
      %integer_pow3A_101 = arith.mulf %sub3A_100, %sub3A_100 : vector<8x4096xf32>
      %add3A_102 = arith.addf %add3A_98, %integer_pow3A_101 : vector<8x4096xf32>
      %min3A = arith.minimumf %scan3A_55, %add3A_102 : vector<8x4096xf32>
      %reduce_max3A = arith.constant dense<0xFF800000> : vector<8xf32>
      %reduce_max3A_103 = vector.multi_reduction <maximumf>, %min3A, %reduce_max3A [1] : vector<8x4096xf32> to vector<8xf32>
      %broadcast_in_dim3A_104 = vector.shape_cast %reduce_max3A_103 : vector<8xf32> to vector<8x1xf32>
      %eq3A_105 = vector.broadcast %broadcast_in_dim3A_104 : vector<8x1xf32> to vector<8x4096xf32>
      %eq3A_106 = arith.cmpf oeq, %min3A, %eq3A_105 : vector<8x4096xf32>
      %jit3A_107 = arith.constant 4096 : i32
      %broadcast_in_dim3A_108 = vector.broadcast %jit3A_107 : i32 to vector<8x4096xi32>
      %select_n3A_109 = arith.select %eq3A_106, %iota3A, %broadcast_in_dim3A_108 : vector<8x4096xi1>, vector<8x4096xi32>
      %reduce_min3A = arith.constant dense<2147483647> : vector<8xi32>
      %reduce_min3A_110 = vector.multi_reduction <minsi>, %select_n3A_109, %reduce_min3A [1] : vector<8x4096xi32> to vector<8xi32>
      %broadcast_in_dim3A_111 = vector.shape_cast %reduce_min3A_110 : vector<8xi32> to vector<8x1xi32>
      scf.yield %min3A, %broadcast_in_dim3A_111, %select_n3A_81, %select_n3A_84, %select_n3A_87, %select_n3A_93 : vector<8x4096xf32>, vector<8x1xi32>, vector<8x512xf32>, vector<8x512xf32>, vector<8x512xf32>, vector<8x512xf32>
    }
    %scan3A_30 = arith.constant 512 : i32
    %swap3A = arith.constant 0 : index
    %swap3A_31 = arith.constant 0 : index
    %swap3A_32 = arith.constant 0 : index
    %swap3A_33 = vector.load %arg1[%swap3A, %swap3A_31, %swap3A_32] : memref<8x4x512xf32, #tpu.memory_space<vmem>>, vector<8x1x512xf32>
    %swap3A_34 = vector.shape_cast %swap3A_33 : vector<8x1x512xf32> to vector<8x512xf32>
    %swap3A_35 = vector.shape_cast %scan3A_29#2 : vector<8x512xf32> to vector<8x1x512xf32>
    tpu.vector_store %arg1[%swap3A, %swap3A_31, %swap3A_32], %swap3A_35 {strides = array<i32>} : memref<8x4x512xf32, #tpu.memory_space<vmem>>, vector<8x1x512xf32>,
    %swap3A_36 = arith.constant 0 : index
    %swap3A_37 = arith.constant 1 : index
    %swap3A_38 = arith.constant 0 : index
    %swap3A_39 = vector.load %arg1[%swap3A_36, %swap3A_37, %swap3A_38] : memref<8x4x512xf32, #tpu.memory_space<vmem>>, vector<8x1x512xf32>
    %swap3A_40 = vector.shape_cast %swap3A_39 : vector<8x1x512xf32> to vector<8x512xf32>
    %swap3A_41 = vector.shape_cast %scan3A_29#3 : vector<8x512xf32> to vector<8x1x512xf32>
    tpu.vector_store %arg1[%swap3A_36, %swap3A_37, %swap3A_38], %swap3A_41 {strides = array<i32>} : memref<8x4x512xf32, #tpu.memory_space<vmem>>, vector<8x1x512xf32>,
    %swap3A_42 = arith.constant 0 : index
    %swap3A_43 = arith.constant 2 : index
    %swap3A_44 = arith.constant 0 : index
    %swap3A_45 = vector.load %arg1[%swap3A_42, %swap3A_43, %swap3A_44] : memref<8x4x512xf32, #tpu.memory_space<vmem>>, vector<8x1x512xf32>
    %swap3A_46 = vector.shape_cast %swap3A_45 : vector<8x1x512xf32> to vector<8x512xf32>
    %swap3A_47 = vector.shape_cast %scan3A_29#4 : vector<8x512xf32> to vector<8x1x512xf32>
    tpu.vector_store %arg1[%swap3A_42, %swap3A_43, %swap3A_44], %swap3A_47 {strides = array<i32>} : memref<8x4x512xf32, #tpu.memory_space<vmem>>, vector<8x1x512xf32>,
    %swap3A_48 = arith.constant 0 : index
    %swap3A_49 = arith.constant 3 : index
    %swap3A_50 = arith.constant 0 : index
    %swap3A_51 = vector.load %arg1[%swap3A_48, %swap3A_49, %swap3A_50] : memref<8x4x512xf32, #tpu.memory_space<vmem>>, vector<8x1x512xf32>
    %swap3A_52 = vector.shape_cast %swap3A_51 : vector<8x1x512xf32> to vector<8x512xf32>
    %swap3A_53 = vector.shape_cast %scan3A_29#5 : vector<8x512xf32> to vector<8x1x512xf32>
    tpu.vector_store %arg1[%swap3A_48, %swap3A_49, %swap3A_50], %swap3A_53 {strides = array<i32>} : memref<8x4x512xf32, #tpu.memory_space<vmem>>, vector<8x1x512xf32>,
    return
  }
}

module attributes {stable_mosaic.version = 14 : i64} {
  func.func @_bq_body(%arg0: i32, %arg1: memref<1x4096x3xf32, #tpu.memory_space<vmem>>, %arg2: memref<1x64x4096xf32, #tpu.memory_space<vmem>>, %arg3: memref<1x512x3xf32, #tpu.memory_space<vmem>>, %arg4: memref<1x1x512xf32, #tpu.memory_space<vmem>>, %arg5: memref<128x3xf32, #tpu.memory_space<vmem>>, %arg6: memref<128x64xf32, #tpu.memory_space<vmem>>, %arg7: memref<1x128xf32, #tpu.memory_space<vmem>>, %arg8: memref<1x32x512xi32, #tpu.memory_space<vmem>>, %arg9: memref<1x512x128xf32, #tpu.memory_space<vmem>>, %arg10: memref<1x4096x128xf32, #tpu.memory_space<vmem>>) attributes {dimension_semantics = [#tpu.dimension_semantics<arbitrary>], iteration_bounds = array<i64: 8>, scalar_prefetch = 0 : i64, scratch_operands = 0 : i64, tpu.core_type = #tpu.core_type<tc>, window_params = [{transform_indices = @transform_0, window_bounds = array<i64: 1, 4096, 3>}, {transform_indices = @transform_1, window_bounds = array<i64: 1, 64, 4096>}, {transform_indices = @transform_2, window_bounds = array<i64: 1, 512, 3>}, {transform_indices = @transform_3, window_bounds = array<i64: 1, 1, 512>}, {pipeline_mode = #tpu.pipeline_mode<synchronous>, transform_indices = @transform_4, window_bounds = array<i64: 128, 3>}, {pipeline_mode = #tpu.pipeline_mode<synchronous>, transform_indices = @transform_5, window_bounds = array<i64: 128, 64>}, {pipeline_mode = #tpu.pipeline_mode<synchronous>, transform_indices = @transform_6, window_bounds = array<i64: 1, 128>}, {transform_indices = @transform_7, window_bounds = array<i64: 1, 32, 512>}, {transform_indices = @transform_8, window_bounds = array<i64: 1, 512, 128>}, {transform_indices = @transform_9, window_bounds = array<i64: 1, 4096, 128>}]} {
    %get3A = arith.constant 0 : index
    %get3A_0 = arith.constant 0 : index
    %get3A_1 = arith.constant 0 : index
    %get3A_2 = vector.load %arg1[%get3A, %get3A_0, %get3A_1] : memref<1x4096x3xf32, #tpu.memory_space<vmem>>, vector<1x4096x3xf32>
    %get3A_3 = vector.shape_cast %get3A_2 : vector<1x4096x3xf32> to vector<4096x3xf32>
    %get3A_4 = arith.constant 0 : index
    %get3A_5 = arith.constant 0 : index
    %get3A_6 = arith.constant 0 : index
    %get3A_7 = vector.load %arg3[%get3A_4, %get3A_5, %get3A_6] : memref<1x512x3xf32, #tpu.memory_space<vmem>>, vector<1x512x3xf32>
    %get3A_8 = vector.shape_cast %get3A_7 : vector<1x512x3xf32> to vector<512x3xf32>
    %get3A_9 = arith.constant 0 : index
    %get3A_10 = arith.constant 0 : index
    %get3A_11 = arith.constant 0 : index
    %get3A_12 = vector.load %arg4[%get3A_9, %get3A_10, %get3A_11] : memref<1x1x512xf32, #tpu.memory_space<vmem>>, vector<1x1x512xf32>
    %get3A_13 = vector.shape_cast %get3A_12 : vector<1x1x512xf32> to vector<1x512xf32>
    %integer_pow3A = arith.mulf %get3A_3, %get3A_3 : vector<4096x3xf32>
    %reduce_sum3A = arith.constant dense<0.000000e+00> : vector<4096xf32>
    %reduce_sum3A_14 = vector.multi_reduction <add>, %integer_pow3A, %reduce_sum3A [1] : vector<4096x3xf32> to vector<4096xf32>
    %broadcast_in_dim3A = vector.shape_cast %reduce_sum3A_14 : vector<4096xf32> to vector<4096x1xf32>
    %dot_general3A = arith.constant dense<0.000000e+00> : vector<4096x512xf32>
    %dot_general3A_15 = tpu.matmul %get3A_3, %get3A_8, %dot_general3A {dimension_numbers = #tpu.dot_dimension_numbers<[1], [1], [0], [0], [0, 0, 1, 0], [], []>, transpose_lhs_hint = false} : vector<4096x3xf32>, vector<512x3xf32>, vector<4096x512xf32> -> vector<4096x512xf32>
    %add3A = vector.broadcast %get3A_13 : vector<1x512xf32> to vector<4096x512xf32>
    %add3A_16 = vector.broadcast %broadcast_in_dim3A : vector<4096x1xf32> to vector<4096x512xf32>
    %add3A_17 = arith.addf %add3A, %add3A_16 : vector<4096x512xf32>
    %mul3A = arith.constant 2.000000e+00 : f32
    %mul3A_18 = vector.broadcast %mul3A : f32 to vector<4096x512xf32>
    %mul3A_19 = arith.mulf %mul3A_18, %dot_general3A_15 : vector<4096x512xf32>
    %sub3A = arith.subf %add3A_17, %mul3A_19 : vector<4096x512xf32>
    %max3A = arith.constant 0.000000e+00 : f32
    %max3A_20 = vector.broadcast %max3A : f32 to vector<4096x512xf32>
    %max3A_21 = arith.maximumf %sub3A, %max3A_20 : vector<4096x512xf32>
    %sqrt3A = math.sqrt %max3A_21 : vector<4096x512xf32>
    %iota3A = tpu.iota {dimensions = array<i32: 0>} : vector<4096x512xi32>
    %iota3A_22 = tpu.iota {dimensions = array<i32: 0>} : vector<32x512xi32>
    %mul3A_23 = arith.constant 4096 : i32
    %mul3A_24 = arith.muli %arg0, %mul3A_23 : i32
    %bitcast_convert_type3A = tpu.bitcast %sub3A : vector<4096x512xf32> -> vector<4096x512xi32>
    %and3A = arith.constant -4096 : i32
    %and3A_25 = vector.broadcast %and3A : i32 to vector<4096x512xi32>
    %and3A_26 = arith.andi %bitcast_convert_type3A, %and3A_25 : vector<4096x512xi32>
    %or3A = arith.ori %and3A_26, %iota3A : vector<4096x512xi32>
    %lt3A = arith.constant 2.500000e-01 : f32
    %lt3A_27 = vector.broadcast %lt3A : f32 to vector<4096x512xf32>
    %lt3A_28 = arith.cmpf olt, %sqrt3A, %lt3A_27 : vector<4096x512xf32>
    %jit3A = arith.constant 2130706432 : i32
    %broadcast_in_dim3A_29 = vector.broadcast %jit3A : i32 to vector<4096x512xi32>
    %select_n3A = arith.select %lt3A_28, %or3A, %broadcast_in_dim3A_29 : vector<4096x512xi1>, vector<4096x512xi32>
    %broadcast_in_dim3A_30 = arith.constant 0 : i32
    %broadcast_in_dim3A_31 = vector.broadcast %broadcast_in_dim3A_30 : i32 to vector<32x512xi32>
    %scan3A = arith.constant 2130706432 : i32
    %scan3A_32 = arith.constant 0 : i32
    %scan3A_33 = arith.constant 32 : i32
    %scan3A_34 = arith.addi %scan3A_32, %scan3A_33 : i32
    %scan3A_35 = arith.constant 1 : i32
    %scan3A_36:2 = scf.for %scan3A_81 = %scan3A_32 to %scan3A_34 step %scan3A_35 iter_args(%scan3A_82 = %select_n3A, %scan3A_83 = %broadcast_in_dim3A_31) -> (vector<4096x512xi32>, vector<32x512xi32>)  : i32 {
      %reduce_min3A = arith.constant dense<2147483647> : vector<512xi32>
      %reduce_min3A_84 = vector.multi_reduction <minsi>, %scan3A_82, %reduce_min3A [0] : vector<4096x512xi32> to vector<512xi32>
      %broadcast_in_dim3A_85 = vector.shape_cast %reduce_min3A_84 : vector<512xi32> to vector<1x512xi32>
      %lt3A_86 = vector.broadcast %scan3A : i32 to vector<1x512xi32>
      %lt3A_87 = arith.cmpi slt, %broadcast_in_dim3A_85, %lt3A_86 : vector<1x512xi32>
      %and3A_88 = arith.constant 4095 : i32
      %and3A_89 = vector.broadcast %and3A_88 : i32 to vector<1x512xi32>
      %and3A_90 = arith.andi %broadcast_in_dim3A_85, %and3A_89 : vector<1x512xi32>
      %add3A_91 = vector.broadcast %mul3A_24 : i32 to vector<1x512xi32>
      %add3A_92 = arith.addi %and3A_90, %add3A_91 : vector<1x512xi32>
      %broadcast_in_dim3A_93 = vector.broadcast %mul3A_24 : i32 to vector<1x512xi32>
      %select_n3A_94 = arith.select %lt3A_87, %add3A_92, %broadcast_in_dim3A_93 : vector<1x512xi1>, vector<1x512xi32>
      %eq3A = vector.broadcast %scan3A_81 : i32 to vector<32x512xi32>
      %eq3A_95 = arith.cmpi eq, %iota3A_22, %eq3A : vector<32x512xi32>
      %broadcast_in_dim3A_96 = vector.shape_cast %select_n3A_94 : vector<1x512xi32> to vector<1x512xi32>
      %broadcast_in_dim3A_97 = vector.broadcast %broadcast_in_dim3A_96 : vector<1x512xi32> to vector<32x512xi32>
      %select_n3A_98 = arith.select %eq3A_95, %broadcast_in_dim3A_97, %scan3A_83 : vector<32x512xi1>, vector<32x512xi32>
      %eq3A_99 = vector.broadcast %broadcast_in_dim3A_85 : vector<1x512xi32> to vector<4096x512xi32>
      %eq3A_100 = arith.cmpi eq, %scan3A_82, %eq3A_99 : vector<4096x512xi32>
      %broadcast_in_dim3A_101 = vector.broadcast %scan3A : i32 to vector<4096x512xi32>
      %select_n3A_102 = arith.select %eq3A_100, %broadcast_in_dim3A_101, %scan3A_82 : vector<4096x512xi1>, vector<4096x512xi32>
      scf.yield %select_n3A_102, %select_n3A_98 : vector<4096x512xi32>, vector<32x512xi32>
    }
    %scan3A_37 = arith.constant 32 : i32
    %swap3A = arith.constant 0 : index
    %swap3A_38 = arith.constant 0 : index
    %swap3A_39 = arith.constant 0 : index
    %swap3A_40 = vector.load %arg8[%swap3A, %swap3A_38, %swap3A_39] : memref<1x32x512xi32, #tpu.memory_space<vmem>>, vector<1x32x512xi32>
    %swap3A_41 = vector.shape_cast %swap3A_40 : vector<1x32x512xi32> to vector<32x512xi32>
    %swap3A_42 = vector.shape_cast %scan3A_36#1 : vector<32x512xi32> to vector<1x32x512xi32>
    tpu.vector_store %arg8[%swap3A, %swap3A_38, %swap3A_39], %swap3A_42 {strides = array<i32>} : memref<1x32x512xi32, #tpu.memory_space<vmem>>, vector<1x32x512xi32>,
    %get3A_43 = arith.constant 0 : index
    %get3A_44 = arith.constant 0 : index
    %get3A_45 = vector.load %arg5[%get3A_43, %get3A_44] : memref<128x3xf32, #tpu.memory_space<vmem>>, vector<128x3xf32>
    %dot_general3A_46 = arith.constant dense<0.000000e+00> : vector<512x128xf32>
    %dot_general3A_47 = tpu.matmul %get3A_8, %get3A_45, %dot_general3A_46 {dimension_numbers = #tpu.dot_dimension_numbers<[1], [1], [0], [0], [0, 0, 1, 0], [], []>, transpose_lhs_hint = false} : vector<512x3xf32>, vector<128x3xf32>, vector<512x128xf32> -> vector<512x128xf32>
    %swap3A_48 = arith.constant 0 : index
    %swap3A_49 = arith.constant 0 : index
    %swap3A_50 = arith.constant 0 : index
    %swap3A_51 = vector.load %arg9[%swap3A_48, %swap3A_49, %swap3A_50] : memref<1x512x128xf32, #tpu.memory_space<vmem>>, vector<1x512x128xf32>
    %swap3A_52 = vector.shape_cast %swap3A_51 : vector<1x512x128xf32> to vector<512x128xf32>
    %swap3A_53 = vector.shape_cast %dot_general3A_47 : vector<512x128xf32> to vector<1x512x128xf32>
    tpu.vector_store %arg9[%swap3A_48, %swap3A_49, %swap3A_50], %swap3A_53 {strides = array<i32>} : memref<1x512x128xf32, #tpu.memory_space<vmem>>, vector<1x512x128xf32>,
    %get3A_54 = arith.constant 0 : index
    %get3A_55 = arith.constant 0 : index
    %get3A_56 = vector.load %arg5[%get3A_54, %get3A_55] : memref<128x3xf32, #tpu.memory_space<vmem>>, vector<128x3xf32>
    %dot_general3A_57 = arith.constant dense<0.000000e+00> : vector<4096x128xf32>
    %dot_general3A_58 = tpu.matmul %get3A_3, %get3A_56, %dot_general3A_57 {dimension_numbers = #tpu.dot_dimension_numbers<[1], [1], [0], [0], [0, 0, 1, 0], [], []>, transpose_lhs_hint = false} : vector<4096x3xf32>, vector<128x3xf32>, vector<4096x128xf32> -> vector<4096x128xf32>
    %get3A_59 = arith.constant 0 : index
    %get3A_60 = arith.constant 0 : index
    %get3A_61 = arith.constant 0 : index
    %get3A_62 = vector.load %arg2[%get3A_59, %get3A_60, %get3A_61] : memref<1x64x4096xf32, #tpu.memory_space<vmem>>, vector<1x64x4096xf32>
    %get3A_63 = vector.shape_cast %get3A_62 : vector<1x64x4096xf32> to vector<64x4096xf32>
    %get3A_64 = arith.constant 0 : index
    %get3A_65 = arith.constant 0 : index
    %get3A_66 = vector.load %arg6[%get3A_64, %get3A_65] : memref<128x64xf32, #tpu.memory_space<vmem>>, vector<128x64xf32>
    %dot_general3A_67 = arith.constant dense<0.000000e+00> : vector<4096x128xf32>
    %dot_general3A_68 = tpu.matmul %get3A_63, %get3A_66, %dot_general3A_67 {dimension_numbers = #tpu.dot_dimension_numbers<[0], [1], [1], [0], [0, 1, 1, 0], [], []>, transpose_lhs_hint = false} : vector<64x4096xf32>, vector<128x64xf32>, vector<4096x128xf32> -> vector<4096x128xf32>
    %add3A_69 = arith.addf %dot_general3A_58, %dot_general3A_68 : vector<4096x128xf32>
    %get3A_70 = arith.constant 0 : index
    %get3A_71 = arith.constant 0 : index
    %get3A_72 = vector.load %arg7[%get3A_70, %get3A_71] : memref<1x128xf32, #tpu.memory_space<vmem>>, vector<1x128xf32>
    %add3A_73 = vector.broadcast %get3A_72 : vector<1x128xf32> to vector<4096x128xf32>
    %add3A_74 = arith.addf %add3A_69, %add3A_73 : vector<4096x128xf32>
    %swap3A_75 = arith.constant 0 : index
    %swap3A_76 = arith.constant 0 : index
    %swap3A_77 = arith.constant 0 : index
    %swap3A_78 = vector.load %arg10[%swap3A_75, %swap3A_76, %swap3A_77] : memref<1x4096x128xf32, #tpu.memory_space<vmem>>, vector<1x4096x128xf32>
    %swap3A_79 = vector.shape_cast %swap3A_78 : vector<1x4096x128xf32> to vector<4096x128xf32>
    %swap3A_80 = vector.shape_cast %add3A_74 : vector<4096x128xf32> to vector<1x4096x128xf32>
    tpu.vector_store %arg10[%swap3A_75, %swap3A_76, %swap3A_77], %swap3A_80 {strides = array<i32>} : memref<1x4096x128xf32, #tpu.memory_space<vmem>>, vector<1x4096x128xf32>,
    return
  }
  func.func @transform_0(%arg0: i32) -> (i32, i32, i32) {
    %c0_i32 = arith.constant 0 : i32
    %c0_i32_0 = arith.constant 0 : i32
    %c0_i32_1 = arith.constant 0 : i32
    return %arg0, %c0_i32, %c0_i32_0 : i32, i32, i32
  }
  func.func @transform_1(%arg0: i32) -> (i32, i32, i32) {
    %c0_i32 = arith.constant 0 : i32
    %c0_i32_0 = arith.constant 0 : i32
    %c0_i32_1 = arith.constant 0 : i32
    return %arg0, %c0_i32, %c0_i32_0 : i32, i32, i32
  }
  func.func @transform_2(%arg0: i32) -> (i32, i32, i32) {
    %c0_i32 = arith.constant 0 : i32
    %c0_i32_0 = arith.constant 0 : i32
    %c0_i32_1 = arith.constant 0 : i32
    return %arg0, %c0_i32, %c0_i32_0 : i32, i32, i32
  }
  func.func @transform_3(%arg0: i32) -> (i32, i32, i32) {
    %c0_i32 = arith.constant 0 : i32
    %c0_i32_0 = arith.constant 0 : i32
    %c0_i32_1 = arith.constant 0 : i32
    return %arg0, %c0_i32, %c0_i32_0 : i32, i32, i32
  }
  func.func @transform_4(%arg0: i32) -> (i32, i32) {
    %c0_i32 = arith.constant 0 : i32
    %c0_i32_0 = arith.constant 0 : i32
    %c0_i32_1 = arith.constant 0 : i32
    return %c0_i32, %c0_i32_0 : i32, i32
  }
  func.func @transform_5(%arg0: i32) -> (i32, i32) {
    %c0_i32 = arith.constant 0 : i32
    %c0_i32_0 = arith.constant 0 : i32
    %c0_i32_1 = arith.constant 0 : i32
    return %c0_i32, %c0_i32_0 : i32, i32
  }
  func.func @transform_6(%arg0: i32) -> (i32, i32) {
    %c0_i32 = arith.constant 0 : i32
    %c0_i32_0 = arith.constant 0 : i32
    %c0_i32_1 = arith.constant 0 : i32
    return %c0_i32, %c0_i32_0 : i32, i32
  }
  func.func @transform_7(%arg0: i32) -> (i32, i32, i32) {
    %c0_i32 = arith.constant 0 : i32
    %c0_i32_0 = arith.constant 0 : i32
    %c0_i32_1 = arith.constant 0 : i32
    return %arg0, %c0_i32, %c0_i32_0 : i32, i32, i32
  }
  func.func @transform_8(%arg0: i32) -> (i32, i32, i32) {
    %c0_i32 = arith.constant 0 : i32
    %c0_i32_0 = arith.constant 0 : i32
    %c0_i32_1 = arith.constant 0 : i32
    return %arg0, %c0_i32, %c0_i32_0 : i32, i32, i32
  }
  func.func @transform_9(%arg0: i32) -> (i32, i32, i32) {
    %c0_i32 = arith.constant 0 : i32
    %c0_i32_0 = arith.constant 0 : i32
    %c0_i32_1 = arith.constant 0 : i32
    return %arg0, %c0_i32, %c0_i32_0 : i32, i32, i32
  }
}

module attributes {stable_mosaic.version = 14 : i64} {
  func.func @_passb_body(%arg0: i32, %arg1: memref<4096x128xf32, #tpu.memory_space<vmem>>, %arg2: memref<1x512x128xf32, #tpu.memory_space<vmem>>, %arg3: memref<2x128xf32, #tpu.memory_space<vmem>>, %arg4: memref<1x128xf32, #tpu.memory_space<vmem>>, %arg5: memref<1x128xf32, #tpu.memory_space<vmem>>, %arg6: memref<128x128xf32, #tpu.memory_space<vmem>>, %arg7: memref<1x128xf32, #tpu.memory_space<vmem>>, %arg8: memref<4096x128xf32, #tpu.memory_space<vmem>>, %arg9: memref<2x128xf32, #tpu.memory_space<vmem>>) attributes {dimension_semantics = [#tpu.dimension_semantics<arbitrary>], iteration_bounds = array<i64: 32>, scalar_prefetch = 0 : i64, scratch_operands = 0 : i64, tpu.core_type = #tpu.core_type<tc>, window_params = [{transform_indices = @transform_0, window_bounds = array<i64: 4096, 128>}, {transform_indices = @transform_1, window_bounds = array<i64: 1, 512, 128>}, {pipeline_mode = #tpu.pipeline_mode<synchronous>, transform_indices = @transform_2, window_bounds = array<i64: 2, 128>}, {pipeline_mode = #tpu.pipeline_mode<synchronous>, transform_indices = @transform_3, window_bounds = array<i64: 1, 128>}, {pipeline_mode = #tpu.pipeline_mode<synchronous>, transform_indices = @transform_4, window_bounds = array<i64: 1, 128>}, {pipeline_mode = #tpu.pipeline_mode<synchronous>, transform_indices = @transform_5, window_bounds = array<i64: 128, 128>}, {pipeline_mode = #tpu.pipeline_mode<synchronous>, transform_indices = @transform_6, window_bounds = array<i64: 1, 128>}, {transform_indices = @transform_7, window_bounds = array<i64: 4096, 128>}, {pipeline_mode = #tpu.pipeline_mode<synchronous>, transform_indices = @transform_8, window_bounds = array<i64: 2, 128>}]} {
    %eq3A = arith.constant 0 : i32
    %eq3A_0 = arith.cmpi eq, %arg0, %eq3A : i32
    %convert_element_type3A = arith.extui %eq3A_0 : i1 to i32
    %cond3A = arith.constant 0 : i32
    %cond3A_1 = arith.cmpi ne, %convert_element_type3A, %cond3A : i32
    scf.if %cond3A_1 {
      %broadcast_in_dim3A_148 = arith.constant 0.000000e+00 : f32
      %broadcast_in_dim3A_149 = vector.broadcast %broadcast_in_dim3A_148 : f32 to vector<2x128xf32>
      %swap3A_150 = arith.constant 0 : index
      %swap3A_151 = arith.constant 0 : index
      %swap3A_152 = vector.load %arg9[%swap3A_150, %swap3A_151] : memref<2x128xf32, #tpu.memory_space<vmem>>, vector<2x128xf32>
      tpu.vector_store %arg9[%swap3A_150, %swap3A_151], %broadcast_in_dim3A_149 {strides = array<i32>} : memref<2x128xf32, #tpu.memory_space<vmem>>, vector<2x128xf32>,
    } else {
    }
    %get3A = arith.constant 0 : index
    %get3A_2 = arith.constant 0 : index
    %get3A_3 = vector.load %arg3[%get3A, %get3A_2] : memref<2x128xf32, #tpu.memory_space<vmem>>, vector<1x128xf32>
    %div3A = arith.constant 1.310720e+05 : f32
    %div3A_4 = vector.broadcast %div3A : f32 to vector<1x128xf32>
    %div3A_5 = arith.divf %get3A_3, %div3A_4 : vector<1x128xf32>
    %get3A_6 = arith.constant 1 : index
    %get3A_7 = arith.constant 0 : index
    %get3A_8 = vector.load %arg3[%get3A_6, %get3A_7] : memref<2x128xf32, #tpu.memory_space<vmem>>, vector<1x128xf32>
    %div3A_9 = arith.constant 1.310720e+05 : f32
    %div3A_10 = vector.broadcast %div3A_9 : f32 to vector<1x128xf32>
    %div3A_11 = arith.divf %get3A_8, %div3A_10 : vector<1x128xf32>
    %mul3A = arith.mulf %div3A_5, %div3A_5 : vector<1x128xf32>
    %sub3A = arith.subf %div3A_11, %mul3A : vector<1x128xf32>
    %add3A = arith.constant 9.99999974E-6 : f32
    %add3A_12 = vector.broadcast %add3A : f32 to vector<1x128xf32>
    %add3A_13 = arith.addf %sub3A, %add3A_12 : vector<1x128xf32>
    %sqrt3A = math.sqrt %add3A_13 : vector<1x128xf32>
    %div3A_14 = arith.constant 1.000000e+00 : f32
    %div3A_15 = vector.broadcast %div3A_14 : f32 to vector<1x128xf32>
    %div3A_16 = arith.divf %div3A_15, %sqrt3A : vector<1x128xf32>
    %get3A_17 = arith.constant 0 : index
    %get3A_18 = arith.constant 0 : index
    %get3A_19 = vector.load %arg4[%get3A_17, %get3A_18] : memref<1x128xf32, #tpu.memory_space<vmem>>, vector<1x128xf32>
    %mul3A_20 = arith.mulf %div3A_16, %get3A_19 : vector<1x128xf32>
    %get3A_21 = arith.constant 0 : index
    %get3A_22 = arith.constant 0 : index
    %get3A_23 = vector.load %arg5[%get3A_21, %get3A_22] : memref<1x128xf32, #tpu.memory_space<vmem>>, vector<1x128xf32>
    %mul3A_24 = arith.mulf %div3A_5, %mul3A_20 : vector<1x128xf32>
    %sub3A_25 = arith.subf %get3A_23, %mul3A_24 : vector<1x128xf32>
    %get3A_26 = arith.constant 0 : index
    %get3A_27 = arith.constant 0 : index
    %get3A_28 = arith.constant 0 : index
    %get3A_29 = vector.load %arg2[%get3A_26, %get3A_27, %get3A_28] : memref<1x512x128xf32, #tpu.memory_space<vmem>>, vector<1x512x128xf32>
    %get3A_30 = vector.shape_cast %get3A_29 : vector<1x512x128xf32> to vector<512x128xf32>
    %get3A_31 = arith.constant 0 : index
    %get3A_32 = arith.constant 0 : index
    %get3A_33 = vector.load %arg1[%get3A_31, %get3A_32] : memref<4096x128xf32, #tpu.memory_space<vmem>>, vector<512x128xf32>
    %sub3A_34 = arith.subf %get3A_33, %get3A_30 : vector<512x128xf32>
    %mul3A_35 = vector.broadcast %mul3A_20 : vector<1x128xf32> to vector<512x128xf32>
    %mul3A_36 = arith.mulf %sub3A_34, %mul3A_35 : vector<512x128xf32>
    %add3A_37 = vector.broadcast %sub3A_25 : vector<1x128xf32> to vector<512x128xf32>
    %add3A_38 = arith.addf %mul3A_36, %add3A_37 : vector<512x128xf32>
    %max3A = arith.constant 0.000000e+00 : f32
    %max3A_39 = vector.broadcast %max3A : f32 to vector<512x128xf32>
    %max3A_40 = arith.maximumf %add3A_38, %max3A_39 : vector<512x128xf32>
    %get3A_41 = arith.constant 512 : index
    %get3A_42 = arith.constant 0 : index
    %get3A_43 = vector.load %arg1[%get3A_41, %get3A_42] : memref<4096x128xf32, #tpu.memory_space<vmem>>, vector<512x128xf32>
    %sub3A_44 = arith.subf %get3A_43, %get3A_30 : vector<512x128xf32>
    %mul3A_45 = vector.broadcast %mul3A_20 : vector<1x128xf32> to vector<512x128xf32>
    %mul3A_46 = arith.mulf %sub3A_44, %mul3A_45 : vector<512x128xf32>
    %add3A_47 = vector.broadcast %sub3A_25 : vector<1x128xf32> to vector<512x128xf32>
    %add3A_48 = arith.addf %mul3A_46, %add3A_47 : vector<512x128xf32>
    %max3A_49 = arith.constant 0.000000e+00 : f32
    %max3A_50 = vector.broadcast %max3A_49 : f32 to vector<512x128xf32>
    %max3A_51 = arith.maximumf %add3A_48, %max3A_50 : vector<512x128xf32>
    %get3A_52 = arith.constant 1024 : index
    %get3A_53 = arith.constant 0 : index
    %get3A_54 = vector.load %arg1[%get3A_52, %get3A_53] : memref<4096x128xf32, #tpu.memory_space<vmem>>, vector<512x128xf32>
    %sub3A_55 = arith.subf %get3A_54, %get3A_30 : vector<512x128xf32>
    %mul3A_56 = vector.broadcast %mul3A_20 : vector<1x128xf32> to vector<512x128xf32>
    %mul3A_57 = arith.mulf %sub3A_55, %mul3A_56 : vector<512x128xf32>
    %add3A_58 = vector.broadcast %sub3A_25 : vector<1x128xf32> to vector<512x128xf32>
    %add3A_59 = arith.addf %mul3A_57, %add3A_58 : vector<512x128xf32>
    %max3A_60 = arith.constant 0.000000e+00 : f32
    %max3A_61 = vector.broadcast %max3A_60 : f32 to vector<512x128xf32>
    %max3A_62 = arith.maximumf %add3A_59, %max3A_61 : vector<512x128xf32>
    %get3A_63 = arith.constant 1536 : index
    %get3A_64 = arith.constant 0 : index
    %get3A_65 = vector.load %arg1[%get3A_63, %get3A_64] : memref<4096x128xf32, #tpu.memory_space<vmem>>, vector<512x128xf32>
    %sub3A_66 = arith.subf %get3A_65, %get3A_30 : vector<512x128xf32>
    %mul3A_67 = vector.broadcast %mul3A_20 : vector<1x128xf32> to vector<512x128xf32>
    %mul3A_68 = arith.mulf %sub3A_66, %mul3A_67 : vector<512x128xf32>
    %add3A_69 = vector.broadcast %sub3A_25 : vector<1x128xf32> to vector<512x128xf32>
    %add3A_70 = arith.addf %mul3A_68, %add3A_69 : vector<512x128xf32>
    %max3A_71 = arith.constant 0.000000e+00 : f32
    %max3A_72 = vector.broadcast %max3A_71 : f32 to vector<512x128xf32>
    %max3A_73 = arith.maximumf %add3A_70, %max3A_72 : vector<512x128xf32>
    %get3A_74 = arith.constant 2048 : index
    %get3A_75 = arith.constant 0 : index
    %get3A_76 = vector.load %arg1[%get3A_74, %get3A_75] : memref<4096x128xf32, #tpu.memory_space<vmem>>, vector<512x128xf32>
    %sub3A_77 = arith.subf %get3A_76, %get3A_30 : vector<512x128xf32>
    %mul3A_78 = vector.broadcast %mul3A_20 : vector<1x128xf32> to vector<512x128xf32>
    %mul3A_79 = arith.mulf %sub3A_77, %mul3A_78 : vector<512x128xf32>
    %add3A_80 = vector.broadcast %sub3A_25 : vector<1x128xf32> to vector<512x128xf32>
    %add3A_81 = arith.addf %mul3A_79, %add3A_80 : vector<512x128xf32>
    %max3A_82 = arith.constant 0.000000e+00 : f32
    %max3A_83 = vector.broadcast %max3A_82 : f32 to vector<512x128xf32>
    %max3A_84 = arith.maximumf %add3A_81, %max3A_83 : vector<512x128xf32>
    %get3A_85 = arith.constant 2560 : index
    %get3A_86 = arith.constant 0 : index
    %get3A_87 = vector.load %arg1[%get3A_85, %get3A_86] : memref<4096x128xf32, #tpu.memory_space<vmem>>, vector<512x128xf32>
    %sub3A_88 = arith.subf %get3A_87, %get3A_30 : vector<512x128xf32>
    %mul3A_89 = vector.broadcast %mul3A_20 : vector<1x128xf32> to vector<512x128xf32>
    %mul3A_90 = arith.mulf %sub3A_88, %mul3A_89 : vector<512x128xf32>
    %add3A_91 = vector.broadcast %sub3A_25 : vector<1x128xf32> to vector<512x128xf32>
    %add3A_92 = arith.addf %mul3A_90, %add3A_91 : vector<512x128xf32>
    %max3A_93 = arith.constant 0.000000e+00 : f32
    %max3A_94 = vector.broadcast %max3A_93 : f32 to vector<512x128xf32>
    %max3A_95 = arith.maximumf %add3A_92, %max3A_94 : vector<512x128xf32>
    %get3A_96 = arith.constant 3072 : index
    %get3A_97 = arith.constant 0 : index
    %get3A_98 = vector.load %arg1[%get3A_96, %get3A_97] : memref<4096x128xf32, #tpu.memory_space<vmem>>, vector<512x128xf32>
    %sub3A_99 = arith.subf %get3A_98, %get3A_30 : vector<512x128xf32>
    %mul3A_100 = vector.broadcast %mul3A_20 : vector<1x128xf32> to vector<512x128xf32>
    %mul3A_101 = arith.mulf %sub3A_99, %mul3A_100 : vector<512x128xf32>
    %add3A_102 = vector.broadcast %sub3A_25 : vector<1x128xf32> to vector<512x128xf32>
    %add3A_103 = arith.addf %mul3A_101, %add3A_102 : vector<512x128xf32>
    %max3A_104 = arith.constant 0.000000e+00 : f32
    %max3A_105 = vector.broadcast %max3A_104 : f32 to vector<512x128xf32>
    %max3A_106 = arith.maximumf %add3A_103, %max3A_105 : vector<512x128xf32>
    %get3A_107 = arith.constant 3584 : index
    %get3A_108 = arith.constant 0 : index
    %get3A_109 = vector.load %arg1[%get3A_107, %get3A_108] : memref<4096x128xf32, #tpu.memory_space<vmem>>, vector<512x128xf32>
    %sub3A_110 = arith.subf %get3A_109, %get3A_30 : vector<512x128xf32>
    %mul3A_111 = vector.broadcast %mul3A_20 : vector<1x128xf32> to vector<512x128xf32>
    %mul3A_112 = arith.mulf %sub3A_110, %mul3A_111 : vector<512x128xf32>
    %add3A_113 = vector.broadcast %sub3A_25 : vector<1x128xf32> to vector<512x128xf32>
    %add3A_114 = arith.addf %mul3A_112, %add3A_113 : vector<512x128xf32>
    %max3A_115 = arith.constant 0.000000e+00 : f32
    %max3A_116 = vector.broadcast %max3A_115 : f32 to vector<512x128xf32>
    %max3A_117 = arith.maximumf %add3A_114, %max3A_116 : vector<512x128xf32>
    %concatenate3A = tpu.concatenate %max3A_40, %max3A_51, %max3A_62, %max3A_73, %max3A_84, %max3A_95, %max3A_106, %max3A_117 in 0 : vector<512x128xf32>, vector<512x128xf32>, vector<512x128xf32>, vector<512x128xf32>, vector<512x128xf32>, vector<512x128xf32>, vector<512x128xf32>, vector<512x128xf32> -> vector<4096x128xf32>
    %get3A_118 = arith.constant 0 : index
    %get3A_119 = arith.constant 0 : index
    %get3A_120 = vector.load %arg6[%get3A_118, %get3A_119] : memref<128x128xf32, #tpu.memory_space<vmem>>, vector<128x128xf32>
    %dot_general3A = arith.constant dense<0.000000e+00> : vector<4096x128xf32>
    %dot_general3A_121 = tpu.matmul %concatenate3A, %get3A_120, %dot_general3A {dimension_numbers = #tpu.dot_dimension_numbers<[1], [1], [0], [0], [0, 0, 1, 0], [], []>, transpose_lhs_hint = false} : vector<4096x128xf32>, vector<128x128xf32>, vector<4096x128xf32> -> vector<4096x128xf32>
    %get3A_122 = arith.constant 0 : index
    %get3A_123 = arith.constant 0 : index
    %get3A_124 = vector.load %arg7[%get3A_122, %get3A_123] : memref<1x128xf32, #tpu.memory_space<vmem>>, vector<1x128xf32>
    %add3A_125 = vector.broadcast %get3A_124 : vector<1x128xf32> to vector<4096x128xf32>
    %add3A_126 = arith.addf %dot_general3A_121, %add3A_125 : vector<4096x128xf32>
    %swap3A = arith.constant 0 : index
    %swap3A_127 = arith.constant 0 : index
    %swap3A_128 = vector.load %arg8[%swap3A, %swap3A_127] : memref<4096x128xf32, #tpu.memory_space<vmem>>, vector<4096x128xf32>
    tpu.vector_store %arg8[%swap3A, %swap3A_127], %add3A_126 {strides = array<i32>} : memref<4096x128xf32, #tpu.memory_space<vmem>>, vector<4096x128xf32>,
    %get3A_129 = arith.constant 0 : index
    %get3A_130 = arith.constant 0 : index
    %get3A_131 = vector.load %arg9[%get3A_129, %get3A_130] : memref<2x128xf32, #tpu.memory_space<vmem>>, vector<1x128xf32>
    %reduce_sum3A = arith.constant dense<0.000000e+00> : vector<128xf32>
    %reduce_sum3A_132 = vector.multi_reduction <add>, %add3A_126, %reduce_sum3A [0] : vector<4096x128xf32> to vector<128xf32>
    %broadcast_in_dim3A = vector.shape_cast %reduce_sum3A_132 : vector<128xf32> to vector<1x128xf32>
    %add3A_133 = arith.addf %get3A_131, %broadcast_in_dim3A : vector<1x128xf32>
    %swap3A_134 = arith.constant 0 : index
    %swap3A_135 = arith.constant 0 : index
    %swap3A_136 = vector.load %arg9[%swap3A_134, %swap3A_135] : memref<2x128xf32, #tpu.memory_space<vmem>>, vector<1x128xf32>
    tpu.vector_store %arg9[%swap3A_134, %swap3A_135], %add3A_133 {strides = array<i32>} : memref<2x128xf32, #tpu.memory_space<vmem>>, vector<1x128xf32>,
    %get3A_137 = arith.constant 1 : index
    %get3A_138 = arith.constant 0 : index
    %get3A_139 = vector.load %arg9[%get3A_137, %get3A_138] : memref<2x128xf32, #tpu.memory_space<vmem>>, vector<1x128xf32>
    %mul3A_140 = arith.mulf %add3A_126, %add3A_126 : vector<4096x128xf32>
    %reduce_sum3A_141 = arith.constant dense<0.000000e+00> : vector<128xf32>
    %reduce_sum3A_142 = vector.multi_reduction <add>, %mul3A_140, %reduce_sum3A_141 [0] : vector<4096x128xf32> to vector<128xf32>
    %broadcast_in_dim3A_143 = vector.shape_cast %reduce_sum3A_142 : vector<128xf32> to vector<1x128xf32>
    %add3A_144 = arith.addf %get3A_139, %broadcast_in_dim3A_143 : vector<1x128xf32>
    %swap3A_145 = arith.constant 1 : index
    %swap3A_146 = arith.constant 0 : index
    %swap3A_147 = vector.load %arg9[%swap3A_145, %swap3A_146] : memref<2x128xf32, #tpu.memory_space<vmem>>, vector<1x128xf32>
    tpu.vector_store %arg9[%swap3A_145, %swap3A_146], %add3A_144 {strides = array<i32>} : memref<2x128xf32, #tpu.memory_space<vmem>>, vector<1x128xf32>,
    return
  }
  func.func @transform_0(%arg0: i32) -> (i32, i32) {
    %c0_i32 = arith.constant 0 : i32
    %c0_i32_0 = arith.constant 0 : i32
    return %arg0, %c0_i32 : i32, i32
  }
  func.func @transform_1(%arg0: i32) -> (i32, i32, i32) {
    %jit3A = arith.constant 4 : i32
    %div3A = arith.divsi %arg0, %jit3A : i32
    %sign3A = arith.constant 0 : i32
    %sign3A_0 = arith.cmpi sgt, %arg0, %sign3A : i32
    %sign3A_1 = arith.extui %sign3A_0 : i1 to i32
    %sign3A_2 = arith.constant 0 : i32
    %sign3A_3 = arith.cmpi slt, %arg0, %sign3A_2 : i32
    %sign3A_4 = arith.extui %sign3A_3 : i1 to i32
    %sign3A_5 = arith.subi %sign3A_1, %sign3A_4 : i32
    %sign3A_6 = arith.constant 0 : i32
    %sign3A_7 = arith.cmpi sgt, %jit3A, %sign3A_6 : i32
    %sign3A_8 = arith.extui %sign3A_7 : i1 to i32
    %sign3A_9 = arith.constant 0 : i32
    %sign3A_10 = arith.cmpi slt, %jit3A, %sign3A_9 : i32
    %sign3A_11 = arith.extui %sign3A_10 : i1 to i32
    %sign3A_12 = arith.subi %sign3A_8, %sign3A_11 : i32
    %ne3A = arith.cmpi ne, %sign3A_5, %sign3A_12 : i32
    %rem3A = arith.remsi %arg0, %jit3A : i32
    %ne3A_13 = arith.constant 0 : i32
    %ne3A_14 = arith.cmpi ne, %rem3A, %ne3A_13 : i32
    %and3A = arith.andi %ne3A, %ne3A_14 : i1
    %sub3A = arith.constant 1 : i32
    %sub3A_15 = arith.subi %div3A, %sub3A : i32
    %select_n3A = arith.select %and3A, %sub3A_15, %div3A : i32
    %c0_i32 = arith.constant 0 : i32
    %c0_i32_16 = arith.constant 0 : i32
    %c0_i32_17 = arith.constant 0 : i32
    return %select_n3A, %c0_i32, %c0_i32_16 : i32, i32, i32
  }
  func.func @transform_2(%arg0: i32) -> (i32, i32) {
    %c0_i32 = arith.constant 0 : i32
    %c0_i32_0 = arith.constant 0 : i32
    %c0_i32_1 = arith.constant 0 : i32
    return %c0_i32, %c0_i32_0 : i32, i32
  }
  func.func @transform_3(%arg0: i32) -> (i32, i32) {
    %c0_i32 = arith.constant 0 : i32
    %c0_i32_0 = arith.constant 0 : i32
    %c0_i32_1 = arith.constant 0 : i32
    return %c0_i32, %c0_i32_0 : i32, i32
  }
  func.func @transform_4(%arg0: i32) -> (i32, i32) {
    %c0_i32 = arith.constant 0 : i32
    %c0_i32_0 = arith.constant 0 : i32
    %c0_i32_1 = arith.constant 0 : i32
    return %c0_i32, %c0_i32_0 : i32, i32
  }
  func.func @transform_5(%arg0: i32) -> (i32, i32) {
    %c0_i32 = arith.constant 0 : i32
    %c0_i32_0 = arith.constant 0 : i32
    %c0_i32_1 = arith.constant 0 : i32
    return %c0_i32, %c0_i32_0 : i32, i32
  }
  func.func @transform_6(%arg0: i32) -> (i32, i32) {
    %c0_i32 = arith.constant 0 : i32
    %c0_i32_0 = arith.constant 0 : i32
    %c0_i32_1 = arith.constant 0 : i32
    return %c0_i32, %c0_i32_0 : i32, i32
  }
  func.func @transform_7(%arg0: i32) -> (i32, i32) {
    %c0_i32 = arith.constant 0 : i32
    %c0_i32_0 = arith.constant 0 : i32
    return %arg0, %c0_i32 : i32, i32
  }
  func.func @transform_8(%arg0: i32) -> (i32, i32) {
    %c0_i32 = arith.constant 0 : i32
    %c0_i32_0 = arith.constant 0 : i32
    %c0_i32_1 = arith.constant 0 : i32
    return %c0_i32, %c0_i32_0 : i32, i32
  }
}

module attributes {stable_mosaic.version = 14 : i64} {
  func.func @_stats0_body(%arg0: i32, %arg1: memref<4096x128xf32, #tpu.memory_space<vmem>>, %arg2: memref<1x512x128xf32, #tpu.memory_space<vmem>>, %arg3: memref<2x128xf32, #tpu.memory_space<vmem>>) attributes {dimension_semantics = [#tpu.dimension_semantics<arbitrary>], iteration_bounds = array<i64: 32>, scalar_prefetch = 0 : i64, scratch_operands = 0 : i64, tpu.core_type = #tpu.core_type<tc>, window_params = [{transform_indices = @transform_0, window_bounds = array<i64: 4096, 128>}, {transform_indices = @transform_1, window_bounds = array<i64: 1, 512, 128>}, {pipeline_mode = #tpu.pipeline_mode<synchronous>, transform_indices = @transform_2, window_bounds = array<i64: 2, 128>}]} {
    %eq3A = arith.constant 0 : i32
    %eq3A_0 = arith.cmpi eq, %arg0, %eq3A : i32
    %convert_element_type3A = arith.extui %eq3A_0 : i1 to i32
    %cond3A = arith.constant 0 : i32
    %cond3A_1 = arith.cmpi ne, %convert_element_type3A, %cond3A : i32
    scf.if %cond3A_1 {
      %broadcast_in_dim3A_122 = arith.constant 0.000000e+00 : f32
      %broadcast_in_dim3A_123 = vector.broadcast %broadcast_in_dim3A_122 : f32 to vector<2x128xf32>
      %swap3A_124 = arith.constant 0 : index
      %swap3A_125 = arith.constant 0 : index
      %swap3A_126 = vector.load %arg3[%swap3A_124, %swap3A_125] : memref<2x128xf32, #tpu.memory_space<vmem>>, vector<2x128xf32>
      tpu.vector_store %arg3[%swap3A_124, %swap3A_125], %broadcast_in_dim3A_123 {strides = array<i32>} : memref<2x128xf32, #tpu.memory_space<vmem>>, vector<2x128xf32>,
    } else {
    }
    %get3A = arith.constant 0 : index
    %get3A_2 = arith.constant 0 : index
    %get3A_3 = arith.constant 0 : index
    %get3A_4 = vector.load %arg2[%get3A, %get3A_2, %get3A_3] : memref<1x512x128xf32, #tpu.memory_space<vmem>>, vector<1x512x128xf32>
    %get3A_5 = vector.shape_cast %get3A_4 : vector<1x512x128xf32> to vector<512x128xf32>
    %broadcast_in_dim3A = arith.constant 0.000000e+00 : f32
    %broadcast_in_dim3A_6 = vector.broadcast %broadcast_in_dim3A : f32 to vector<1x128xf32>
    %broadcast_in_dim3A_7 = arith.constant 0.000000e+00 : f32
    %broadcast_in_dim3A_8 = vector.broadcast %broadcast_in_dim3A_7 : f32 to vector<1x128xf32>
    %get3A_9 = arith.constant 0 : index
    %get3A_10 = arith.constant 0 : index
    %get3A_11 = vector.load %arg1[%get3A_9, %get3A_10] : memref<4096x128xf32, #tpu.memory_space<vmem>>, vector<512x128xf32>
    %sub3A = arith.subf %get3A_11, %get3A_5 : vector<512x128xf32>
    %reduce_sum3A = arith.constant dense<0.000000e+00> : vector<128xf32>
    %reduce_sum3A_12 = vector.multi_reduction <add>, %sub3A, %reduce_sum3A [0] : vector<512x128xf32> to vector<128xf32>
    %broadcast_in_dim3A_13 = vector.shape_cast %reduce_sum3A_12 : vector<128xf32> to vector<1x128xf32>
    %add3A = arith.addf %broadcast_in_dim3A_6, %broadcast_in_dim3A_13 : vector<1x128xf32>
    %mul3A = arith.mulf %sub3A, %sub3A : vector<512x128xf32>
    %reduce_sum3A_14 = arith.constant dense<0.000000e+00> : vector<128xf32>
    %reduce_sum3A_15 = vector.multi_reduction <add>, %mul3A, %reduce_sum3A_14 [0] : vector<512x128xf32> to vector<128xf32>
    %broadcast_in_dim3A_16 = vector.shape_cast %reduce_sum3A_15 : vector<128xf32> to vector<1x128xf32>
    %add3A_17 = arith.addf %broadcast_in_dim3A_8, %broadcast_in_dim3A_16 : vector<1x128xf32>
    %get3A_18 = arith.constant 512 : index
    %get3A_19 = arith.constant 0 : index
    %get3A_20 = vector.load %arg1[%get3A_18, %get3A_19] : memref<4096x128xf32, #tpu.memory_space<vmem>>, vector<512x128xf32>
    %sub3A_21 = arith.subf %get3A_20, %get3A_5 : vector<512x128xf32>
    %reduce_sum3A_22 = arith.constant dense<0.000000e+00> : vector<128xf32>
    %reduce_sum3A_23 = vector.multi_reduction <add>, %sub3A_21, %reduce_sum3A_22 [0] : vector<512x128xf32> to vector<128xf32>
    %broadcast_in_dim3A_24 = vector.shape_cast %reduce_sum3A_23 : vector<128xf32> to vector<1x128xf32>
    %add3A_25 = arith.addf %add3A, %broadcast_in_dim3A_24 : vector<1x128xf32>
    %mul3A_26 = arith.mulf %sub3A_21, %sub3A_21 : vector<512x128xf32>
    %reduce_sum3A_27 = arith.constant dense<0.000000e+00> : vector<128xf32>
    %reduce_sum3A_28 = vector.multi_reduction <add>, %mul3A_26, %reduce_sum3A_27 [0] : vector<512x128xf32> to vector<128xf32>
    %broadcast_in_dim3A_29 = vector.shape_cast %reduce_sum3A_28 : vector<128xf32> to vector<1x128xf32>
    %add3A_30 = arith.addf %add3A_17, %broadcast_in_dim3A_29 : vector<1x128xf32>
    %get3A_31 = arith.constant 1024 : index
    %get3A_32 = arith.constant 0 : index
    %get3A_33 = vector.load %arg1[%get3A_31, %get3A_32] : memref<4096x128xf32, #tpu.memory_space<vmem>>, vector<512x128xf32>
    %sub3A_34 = arith.subf %get3A_33, %get3A_5 : vector<512x128xf32>
    %reduce_sum3A_35 = arith.constant dense<0.000000e+00> : vector<128xf32>
    %reduce_sum3A_36 = vector.multi_reduction <add>, %sub3A_34, %reduce_sum3A_35 [0] : vector<512x128xf32> to vector<128xf32>
    %broadcast_in_dim3A_37 = vector.shape_cast %reduce_sum3A_36 : vector<128xf32> to vector<1x128xf32>
    %add3A_38 = arith.addf %add3A_25, %broadcast_in_dim3A_37 : vector<1x128xf32>
    %mul3A_39 = arith.mulf %sub3A_34, %sub3A_34 : vector<512x128xf32>
    %reduce_sum3A_40 = arith.constant dense<0.000000e+00> : vector<128xf32>
    %reduce_sum3A_41 = vector.multi_reduction <add>, %mul3A_39, %reduce_sum3A_40 [0] : vector<512x128xf32> to vector<128xf32>
    %broadcast_in_dim3A_42 = vector.shape_cast %reduce_sum3A_41 : vector<128xf32> to vector<1x128xf32>
    %add3A_43 = arith.addf %add3A_30, %broadcast_in_dim3A_42 : vector<1x128xf32>
    %get3A_44 = arith.constant 1536 : index
    %get3A_45 = arith.constant 0 : index
    %get3A_46 = vector.load %arg1[%get3A_44, %get3A_45] : memref<4096x128xf32, #tpu.memory_space<vmem>>, vector<512x128xf32>
    %sub3A_47 = arith.subf %get3A_46, %get3A_5 : vector<512x128xf32>
    %reduce_sum3A_48 = arith.constant dense<0.000000e+00> : vector<128xf32>
    %reduce_sum3A_49 = vector.multi_reduction <add>, %sub3A_47, %reduce_sum3A_48 [0] : vector<512x128xf32> to vector<128xf32>
    %broadcast_in_dim3A_50 = vector.shape_cast %reduce_sum3A_49 : vector<128xf32> to vector<1x128xf32>
    %add3A_51 = arith.addf %add3A_38, %broadcast_in_dim3A_50 : vector<1x128xf32>
    %mul3A_52 = arith.mulf %sub3A_47, %sub3A_47 : vector<512x128xf32>
    %reduce_sum3A_53 = arith.constant dense<0.000000e+00> : vector<128xf32>
    %reduce_sum3A_54 = vector.multi_reduction <add>, %mul3A_52, %reduce_sum3A_53 [0] : vector<512x128xf32> to vector<128xf32>
    %broadcast_in_dim3A_55 = vector.shape_cast %reduce_sum3A_54 : vector<128xf32> to vector<1x128xf32>
    %add3A_56 = arith.addf %add3A_43, %broadcast_in_dim3A_55 : vector<1x128xf32>
    %get3A_57 = arith.constant 2048 : index
    %get3A_58 = arith.constant 0 : index
    %get3A_59 = vector.load %arg1[%get3A_57, %get3A_58] : memref<4096x128xf32, #tpu.memory_space<vmem>>, vector<512x128xf32>
    %sub3A_60 = arith.subf %get3A_59, %get3A_5 : vector<512x128xf32>
    %reduce_sum3A_61 = arith.constant dense<0.000000e+00> : vector<128xf32>
    %reduce_sum3A_62 = vector.multi_reduction <add>, %sub3A_60, %reduce_sum3A_61 [0] : vector<512x128xf32> to vector<128xf32>
    %broadcast_in_dim3A_63 = vector.shape_cast %reduce_sum3A_62 : vector<128xf32> to vector<1x128xf32>
    %add3A_64 = arith.addf %add3A_51, %broadcast_in_dim3A_63 : vector<1x128xf32>
    %mul3A_65 = arith.mulf %sub3A_60, %sub3A_60 : vector<512x128xf32>
    %reduce_sum3A_66 = arith.constant dense<0.000000e+00> : vector<128xf32>
    %reduce_sum3A_67 = vector.multi_reduction <add>, %mul3A_65, %reduce_sum3A_66 [0] : vector<512x128xf32> to vector<128xf32>
    %broadcast_in_dim3A_68 = vector.shape_cast %reduce_sum3A_67 : vector<128xf32> to vector<1x128xf32>
    %add3A_69 = arith.addf %add3A_56, %broadcast_in_dim3A_68 : vector<1x128xf32>
    %get3A_70 = arith.constant 2560 : index
    %get3A_71 = arith.constant 0 : index
    %get3A_72 = vector.load %arg1[%get3A_70, %get3A_71] : memref<4096x128xf32, #tpu.memory_space<vmem>>, vector<512x128xf32>
    %sub3A_73 = arith.subf %get3A_72, %get3A_5 : vector<512x128xf32>
    %reduce_sum3A_74 = arith.constant dense<0.000000e+00> : vector<128xf32>
    %reduce_sum3A_75 = vector.multi_reduction <add>, %sub3A_73, %reduce_sum3A_74 [0] : vector<512x128xf32> to vector<128xf32>
    %broadcast_in_dim3A_76 = vector.shape_cast %reduce_sum3A_75 : vector<128xf32> to vector<1x128xf32>
    %add3A_77 = arith.addf %add3A_64, %broadcast_in_dim3A_76 : vector<1x128xf32>
    %mul3A_78 = arith.mulf %sub3A_73, %sub3A_73 : vector<512x128xf32>
    %reduce_sum3A_79 = arith.constant dense<0.000000e+00> : vector<128xf32>
    %reduce_sum3A_80 = vector.multi_reduction <add>, %mul3A_78, %reduce_sum3A_79 [0] : vector<512x128xf32> to vector<128xf32>
    %broadcast_in_dim3A_81 = vector.shape_cast %reduce_sum3A_80 : vector<128xf32> to vector<1x128xf32>
    %add3A_82 = arith.addf %add3A_69, %broadcast_in_dim3A_81 : vector<1x128xf32>
    %get3A_83 = arith.constant 3072 : index
    %get3A_84 = arith.constant 0 : index
    %get3A_85 = vector.load %arg1[%get3A_83, %get3A_84] : memref<4096x128xf32, #tpu.memory_space<vmem>>, vector<512x128xf32>
    %sub3A_86 = arith.subf %get3A_85, %get3A_5 : vector<512x128xf32>
    %reduce_sum3A_87 = arith.constant dense<0.000000e+00> : vector<128xf32>
    %reduce_sum3A_88 = vector.multi_reduction <add>, %sub3A_86, %reduce_sum3A_87 [0] : vector<512x128xf32> to vector<128xf32>
    %broadcast_in_dim3A_89 = vector.shape_cast %reduce_sum3A_88 : vector<128xf32> to vector<1x128xf32>
    %add3A_90 = arith.addf %add3A_77, %broadcast_in_dim3A_89 : vector<1x128xf32>
    %mul3A_91 = arith.mulf %sub3A_86, %sub3A_86 : vector<512x128xf32>
    %reduce_sum3A_92 = arith.constant dense<0.000000e+00> : vector<128xf32>
    %reduce_sum3A_93 = vector.multi_reduction <add>, %mul3A_91, %reduce_sum3A_92 [0] : vector<512x128xf32> to vector<128xf32>
    %broadcast_in_dim3A_94 = vector.shape_cast %reduce_sum3A_93 : vector<128xf32> to vector<1x128xf32>
    %add3A_95 = arith.addf %add3A_82, %broadcast_in_dim3A_94 : vector<1x128xf32>
    %get3A_96 = arith.constant 3584 : index
    %get3A_97 = arith.constant 0 : index
    %get3A_98 = vector.load %arg1[%get3A_96, %get3A_97] : memref<4096x128xf32, #tpu.memory_space<vmem>>, vector<512x128xf32>
    %sub3A_99 = arith.subf %get3A_98, %get3A_5 : vector<512x128xf32>
    %reduce_sum3A_100 = arith.constant dense<0.000000e+00> : vector<128xf32>
    %reduce_sum3A_101 = vector.multi_reduction <add>, %sub3A_99, %reduce_sum3A_100 [0] : vector<512x128xf32> to vector<128xf32>
    %broadcast_in_dim3A_102 = vector.shape_cast %reduce_sum3A_101 : vector<128xf32> to vector<1x128xf32>
    %add3A_103 = arith.addf %add3A_90, %broadcast_in_dim3A_102 : vector<1x128xf32>
    %mul3A_104 = arith.mulf %sub3A_99, %sub3A_99 : vector<512x128xf32>
    %reduce_sum3A_105 = arith.constant dense<0.000000e+00> : vector<128xf32>
    %reduce_sum3A_106 = vector.multi_reduction <add>, %mul3A_104, %reduce_sum3A_105 [0] : vector<512x128xf32> to vector<128xf32>
    %broadcast_in_dim3A_107 = vector.shape_cast %reduce_sum3A_106 : vector<128xf32> to vector<1x128xf32>
    %add3A_108 = arith.addf %add3A_95, %broadcast_in_dim3A_107 : vector<1x128xf32>
    %get3A_109 = arith.constant 0 : index
    %get3A_110 = arith.constant 0 : index
    %get3A_111 = vector.load %arg3[%get3A_109, %get3A_110] : memref<2x128xf32, #tpu.memory_space<vmem>>, vector<1x128xf32>
    %add3A_112 = arith.addf %get3A_111, %add3A_103 : vector<1x128xf32>
    %swap3A = arith.constant 0 : index
    %swap3A_113 = arith.constant 0 : index
    %swap3A_114 = vector.load %arg3[%swap3A, %swap3A_113] : memref<2x128xf32, #tpu.memory_space<vmem>>, vector<1x128xf32>
    tpu.vector_store %arg3[%swap3A, %swap3A_113], %add3A_112 {strides = array<i32>} : memref<2x128xf32, #tpu.memory_space<vmem>>, vector<1x128xf32>,
    %get3A_115 = arith.constant 1 : index
    %get3A_116 = arith.constant 0 : index
    %get3A_117 = vector.load %arg3[%get3A_115, %get3A_116] : memref<2x128xf32, #tpu.memory_space<vmem>>, vector<1x128xf32>
    %add3A_118 = arith.addf %get3A_117, %add3A_108 : vector<1x128xf32>
    %swap3A_119 = arith.constant 1 : index
    %swap3A_120 = arith.constant 0 : index
    %swap3A_121 = vector.load %arg3[%swap3A_119, %swap3A_120] : memref<2x128xf32, #tpu.memory_space<vmem>>, vector<1x128xf32>
    tpu.vector_store %arg3[%swap3A_119, %swap3A_120], %add3A_118 {strides = array<i32>} : memref<2x128xf32, #tpu.memory_space<vmem>>, vector<1x128xf32>,
    return
  }
  func.func @transform_0(%arg0: i32) -> (i32, i32) {
    %c0_i32 = arith.constant 0 : i32
    %c0_i32_0 = arith.constant 0 : i32
    return %arg0, %c0_i32 : i32, i32
  }
  func.func @transform_1(%arg0: i32) -> (i32, i32, i32) {
    %jit3A = arith.constant 4 : i32
    %div3A = arith.divsi %arg0, %jit3A : i32
    %sign3A = arith.constant 0 : i32
    %sign3A_0 = arith.cmpi sgt, %arg0, %sign3A : i32
    %sign3A_1 = arith.extui %sign3A_0 : i1 to i32
    %sign3A_2 = arith.constant 0 : i32
    %sign3A_3 = arith.cmpi slt, %arg0, %sign3A_2 : i32
    %sign3A_4 = arith.extui %sign3A_3 : i1 to i32
    %sign3A_5 = arith.subi %sign3A_1, %sign3A_4 : i32
    %sign3A_6 = arith.constant 0 : i32
    %sign3A_7 = arith.cmpi sgt, %jit3A, %sign3A_6 : i32
    %sign3A_8 = arith.extui %sign3A_7 : i1 to i32
    %sign3A_9 = arith.constant 0 : i32
    %sign3A_10 = arith.cmpi slt, %jit3A, %sign3A_9 : i32
    %sign3A_11 = arith.extui %sign3A_10 : i1 to i32
    %sign3A_12 = arith.subi %sign3A_8, %sign3A_11 : i32
    %ne3A = arith.cmpi ne, %sign3A_5, %sign3A_12 : i32
    %rem3A = arith.remsi %arg0, %jit3A : i32
    %ne3A_13 = arith.constant 0 : i32
    %ne3A_14 = arith.cmpi ne, %rem3A, %ne3A_13 : i32
    %and3A = arith.andi %ne3A, %ne3A_14 : i1
    %sub3A = arith.constant 1 : i32
    %sub3A_15 = arith.subi %div3A, %sub3A : i32
    %select_n3A = arith.select %and3A, %sub3A_15, %div3A : i32
    %c0_i32 = arith.constant 0 : i32
    %c0_i32_16 = arith.constant 0 : i32
    %c0_i32_17 = arith.constant 0 : i32
    return %select_n3A, %c0_i32, %c0_i32_16 : i32, i32, i32
  }
  func.func @transform_2(%arg0: i32) -> (i32, i32) {
    %c0_i32 = arith.constant 0 : i32
    %c0_i32_0 = arith.constant 0 : i32
    %c0_i32_1 = arith.constant 0 : i32
    return %c0_i32, %c0_i32_0 : i32, i32
  }
}

module attributes {stable_mosaic.version = 14 : i64} {
  func.func @_passc_body(%arg0: i32, %arg1: memref<16384x128xf32, #tpu.memory_space<vmem>>, %arg2: memref<2x128xf32, #tpu.memory_space<vmem>>, %arg3: memref<1x128xf32, #tpu.memory_space<vmem>>, %arg4: memref<1x128xf32, #tpu.memory_space<vmem>>, %arg5: memref<256x128xf32, #tpu.memory_space<vmem>>, %arg6: memref<1x256xf32, #tpu.memory_space<vmem>>, %arg7: memref<512x256xf32, #tpu.memory_space<vmem>>, %arg8: memref<512x256xf32, #tpu.memory_space<vmem>>, %arg9: memref<2x256xf32, #tpu.memory_space<vmem>>) attributes {dimension_semantics = [#tpu.dimension_semantics<arbitrary>], iteration_bounds = array<i64: 8>, scalar_prefetch = 0 : i64, scratch_operands = 0 : i64, tpu.core_type = #tpu.core_type<tc>, window_params = [{transform_indices = @transform_0, window_bounds = array<i64: 16384, 128>}, {pipeline_mode = #tpu.pipeline_mode<synchronous>, transform_indices = @transform_1, window_bounds = array<i64: 2, 128>}, {pipeline_mode = #tpu.pipeline_mode<synchronous>, transform_indices = @transform_2, window_bounds = array<i64: 1, 128>}, {pipeline_mode = #tpu.pipeline_mode<synchronous>, transform_indices = @transform_3, window_bounds = array<i64: 1, 128>}, {pipeline_mode = #tpu.pipeline_mode<synchronous>, transform_indices = @transform_4, window_bounds = array<i64: 256, 128>}, {pipeline_mode = #tpu.pipeline_mode<synchronous>, transform_indices = @transform_5, window_bounds = array<i64: 1, 256>}, {transform_indices = @transform_6, window_bounds = array<i64: 512, 256>}, {transform_indices = @transform_7, window_bounds = array<i64: 512, 256>}, {pipeline_mode = #tpu.pipeline_mode<synchronous>, transform_indices = @transform_8, window_bounds = array<i64: 2, 256>}]} {
    %eq3A = arith.constant 0 : i32
    %eq3A_0 = arith.cmpi eq, %arg0, %eq3A : i32
    %convert_element_type3A = arith.extui %eq3A_0 : i1 to i32
    %cond3A = arith.constant 0 : i32
    %cond3A_1 = arith.cmpi ne, %convert_element_type3A, %cond3A : i32
    scf.if %cond3A_1 {
      %broadcast_in_dim3A_161 = arith.constant 0.000000e+00 : f32
      %broadcast_in_dim3A_162 = vector.broadcast %broadcast_in_dim3A_161 : f32 to vector<2x256xf32>
      %swap3A_163 = arith.constant 0 : index
      %swap3A_164 = arith.constant 0 : index
      %swap3A_165 = vector.load %arg9[%swap3A_163, %swap3A_164] : memref<2x256xf32, #tpu.memory_space<vmem>>, vector<2x256xf32>
      tpu.vector_store %arg9[%swap3A_163, %swap3A_164], %broadcast_in_dim3A_162 {strides = array<i32>} : memref<2x256xf32, #tpu.memory_space<vmem>>, vector<2x256xf32>,
    } else {
    }
    %get3A = arith.constant 0 : index
    %get3A_2 = arith.constant 0 : index
    %get3A_3 = vector.load %arg2[%get3A, %get3A_2] : memref<2x128xf32, #tpu.memory_space<vmem>>, vector<1x128xf32>
    %div3A = arith.constant 1.310720e+05 : f32
    %div3A_4 = vector.broadcast %div3A : f32 to vector<1x128xf32>
    %div3A_5 = arith.divf %get3A_3, %div3A_4 : vector<1x128xf32>
    %get3A_6 = arith.constant 1 : index
    %get3A_7 = arith.constant 0 : index
    %get3A_8 = vector.load %arg2[%get3A_6, %get3A_7] : memref<2x128xf32, #tpu.memory_space<vmem>>, vector<1x128xf32>
    %div3A_9 = arith.constant 1.310720e+05 : f32
    %div3A_10 = vector.broadcast %div3A_9 : f32 to vector<1x128xf32>
    %div3A_11 = arith.divf %get3A_8, %div3A_10 : vector<1x128xf32>
    %mul3A = arith.mulf %div3A_5, %div3A_5 : vector<1x128xf32>
    %sub3A = arith.subf %div3A_11, %mul3A : vector<1x128xf32>
    %add3A = arith.constant 9.99999974E-6 : f32
    %add3A_12 = vector.broadcast %add3A : f32 to vector<1x128xf32>
    %add3A_13 = arith.addf %sub3A, %add3A_12 : vector<1x128xf32>
    %sqrt3A = math.sqrt %add3A_13 : vector<1x128xf32>
    %div3A_14 = arith.constant 1.000000e+00 : f32
    %div3A_15 = vector.broadcast %div3A_14 : f32 to vector<1x128xf32>
    %div3A_16 = arith.divf %div3A_15, %sqrt3A : vector<1x128xf32>
    %get3A_17 = arith.constant 0 : index
    %get3A_18 = arith.constant 0 : index
    %get3A_19 = vector.load %arg3[%get3A_17, %get3A_18] : memref<1x128xf32, #tpu.memory_space<vmem>>, vector<1x128xf32>
    %mul3A_20 = arith.mulf %div3A_16, %get3A_19 : vector<1x128xf32>
    %get3A_21 = arith.constant 0 : index
    %get3A_22 = arith.constant 0 : index
    %get3A_23 = vector.load %arg4[%get3A_21, %get3A_22] : memref<1x128xf32, #tpu.memory_space<vmem>>, vector<1x128xf32>
    %mul3A_24 = arith.mulf %div3A_5, %mul3A_20 : vector<1x128xf32>
    %sub3A_25 = arith.subf %get3A_23, %mul3A_24 : vector<1x128xf32>
    %get3A_26 = arith.constant 0 : index
    %get3A_27 = arith.constant 0 : index
    %get3A_28 = vector.load %arg1[%get3A_26, %get3A_27] : memref<16384x128xf32, #tpu.memory_space<vmem>>, vector<16384x128xf32>
    %mul3A_29 = vector.broadcast %mul3A_20 : vector<1x128xf32> to vector<16384x128xf32>
    %mul3A_30 = arith.mulf %get3A_28, %mul3A_29 : vector<16384x128xf32>
    %add3A_31 = vector.broadcast %sub3A_25 : vector<1x128xf32> to vector<16384x128xf32>
    %add3A_32 = arith.addf %mul3A_30, %add3A_31 : vector<16384x128xf32>
    %max3A = arith.constant 0.000000e+00 : f32
    %max3A_33 = vector.broadcast %max3A : f32 to vector<16384x128xf32>
    %max3A_34 = arith.maximumf %add3A_32, %max3A_33 : vector<16384x128xf32>
    %get3A_35 = arith.constant 0 : index
    %get3A_36 = arith.constant 0 : index
    %get3A_37 = vector.load %arg5[%get3A_35, %get3A_36] : memref<256x128xf32, #tpu.memory_space<vmem>>, vector<256x128xf32>
    %dot_general3A = arith.constant dense<0.000000e+00> : vector<16384x256xf32>
    %dot_general3A_38 = tpu.matmul %max3A_34, %get3A_37, %dot_general3A {dimension_numbers = #tpu.dot_dimension_numbers<[1], [1], [0], [0], [0, 0, 1, 0], [], []>, transpose_lhs_hint = false} : vector<16384x128xf32>, vector<256x128xf32>, vector<16384x256xf32> -> vector<16384x256xf32>
    %get3A_39 = arith.constant 0 : index
    %get3A_40 = arith.constant 0 : index
    %get3A_41 = vector.load %arg6[%get3A_39, %get3A_40] : memref<1x256xf32, #tpu.memory_space<vmem>>, vector<1x256xf32>
    %add3A_42 = vector.broadcast %get3A_41 : vector<1x256xf32> to vector<16384x256xf32>
    %add3A_43 = arith.addf %dot_general3A_38, %add3A_42 : vector<16384x256xf32>
    %get3A_44 = arith.constant 0 : index
    %get3A_45 = arith.constant 0 : index
    %get3A_46 = vector.load %arg9[%get3A_44, %get3A_45] : memref<2x256xf32, #tpu.memory_space<vmem>>, vector<1x256xf32>
    %reduce_sum3A = arith.constant dense<0.000000e+00> : vector<256xf32>
    %reduce_sum3A_47 = vector.multi_reduction <add>, %add3A_43, %reduce_sum3A [0] : vector<16384x256xf32> to vector<256xf32>
    %broadcast_in_dim3A = vector.shape_cast %reduce_sum3A_47 : vector<256xf32> to vector<1x256xf32>
    %add3A_48 = arith.addf %get3A_46, %broadcast_in_dim3A : vector<1x256xf32>
    %swap3A = arith.constant 0 : index
    %swap3A_49 = arith.constant 0 : index
    %swap3A_50 = vector.load %arg9[%swap3A, %swap3A_49] : memref<2x256xf32, #tpu.memory_space<vmem>>, vector<1x256xf32>
    tpu.vector_store %arg9[%swap3A, %swap3A_49], %add3A_48 {strides = array<i32>} : memref<2x256xf32, #tpu.memory_space<vmem>>, vector<1x256xf32>,
    %get3A_51 = arith.constant 1 : index
    %get3A_52 = arith.constant 0 : index
    %get3A_53 = vector.load %arg9[%get3A_51, %get3A_52] : memref<2x256xf32, #tpu.memory_space<vmem>>, vector<1x256xf32>
    %mul3A_54 = arith.mulf %add3A_43, %add3A_43 : vector<16384x256xf32>
    %reduce_sum3A_55 = arith.constant dense<0.000000e+00> : vector<256xf32>
    %reduce_sum3A_56 = vector.multi_reduction <add>, %mul3A_54, %reduce_sum3A_55 [0] : vector<16384x256xf32> to vector<256xf32>
    %broadcast_in_dim3A_57 = vector.shape_cast %reduce_sum3A_56 : vector<256xf32> to vector<1x256xf32>
    %add3A_58 = arith.addf %get3A_53, %broadcast_in_dim3A_57 : vector<1x256xf32>
    %swap3A_59 = arith.constant 1 : index
    %swap3A_60 = arith.constant 0 : index
    %swap3A_61 = vector.load %arg9[%swap3A_59, %swap3A_60] : memref<2x256xf32, #tpu.memory_space<vmem>>, vector<1x256xf32>
    tpu.vector_store %arg9[%swap3A_59, %swap3A_60], %add3A_58 {strides = array<i32>} : memref<2x256xf32, #tpu.memory_space<vmem>>, vector<1x256xf32>,
    %slice3A = vector.extract_strided_slice %add3A_43 {offsets = [0, 0], sizes = [512, 256], strides = [1, 1]} : vector<16384x256xf32> to vector<512x256xf32>
    %slice3A_62 = vector.extract_strided_slice %add3A_43 {offsets = [0, 0], sizes = [512, 256], strides = [1, 1]} : vector<16384x256xf32> to vector<512x256xf32>
    %slice3A_63 = vector.extract_strided_slice %add3A_43 {offsets = [512, 0], sizes = [512, 256], strides = [1, 1]} : vector<16384x256xf32> to vector<512x256xf32>
    %max3A_64 = arith.maximumf %slice3A, %slice3A_63 : vector<512x256xf32>
    %min3A = arith.minimumf %slice3A_62, %slice3A_63 : vector<512x256xf32>
    %slice3A_65 = vector.extract_strided_slice %add3A_43 {offsets = [1024, 0], sizes = [512, 256], strides = [1, 1]} : vector<16384x256xf32> to vector<512x256xf32>
    %max3A_66 = arith.maximumf %max3A_64, %slice3A_65 : vector<512x256xf32>
    %min3A_67 = arith.minimumf %min3A, %slice3A_65 : vector<512x256xf32>
    %slice3A_68 = vector.extract_strided_slice %add3A_43 {offsets = [1536, 0], sizes = [512, 256], strides = [1, 1]} : vector<16384x256xf32> to vector<512x256xf32>
    %max3A_69 = arith.maximumf %max3A_66, %slice3A_68 : vector<512x256xf32>
    %min3A_70 = arith.minimumf %min3A_67, %slice3A_68 : vector<512x256xf32>
    %slice3A_71 = vector.extract_strided_slice %add3A_43 {offsets = [2048, 0], sizes = [512, 256], strides = [1, 1]} : vector<16384x256xf32> to vector<512x256xf32>
    %max3A_72 = arith.maximumf %max3A_69, %slice3A_71 : vector<512x256xf32>
    %min3A_73 = arith.minimumf %min3A_70, %slice3A_71 : vector<512x256xf32>
    %slice3A_74 = vector.extract_strided_slice %add3A_43 {offsets = [2560, 0], sizes = [512, 256], strides = [1, 1]} : vector<16384x256xf32> to vector<512x256xf32>
    %max3A_75 = arith.maximumf %max3A_72, %slice3A_74 : vector<512x256xf32>
    %min3A_76 = arith.minimumf %min3A_73, %slice3A_74 : vector<512x256xf32>
    %slice3A_77 = vector.extract_strided_slice %add3A_43 {offsets = [3072, 0], sizes = [512, 256], strides = [1, 1]} : vector<16384x256xf32> to vector<512x256xf32>
    %max3A_78 = arith.maximumf %max3A_75, %slice3A_77 : vector<512x256xf32>
    %min3A_79 = arith.minimumf %min3A_76, %slice3A_77 : vector<512x256xf32>
    %slice3A_80 = vector.extract_strided_slice %add3A_43 {offsets = [3584, 0], sizes = [512, 256], strides = [1, 1]} : vector<16384x256xf32> to vector<512x256xf32>
    %max3A_81 = arith.maximumf %max3A_78, %slice3A_80 : vector<512x256xf32>
    %min3A_82 = arith.minimumf %min3A_79, %slice3A_80 : vector<512x256xf32>
    %slice3A_83 = vector.extract_strided_slice %add3A_43 {offsets = [4096, 0], sizes = [512, 256], strides = [1, 1]} : vector<16384x256xf32> to vector<512x256xf32>
    %max3A_84 = arith.maximumf %max3A_81, %slice3A_83 : vector<512x256xf32>
    %min3A_85 = arith.minimumf %min3A_82, %slice3A_83 : vector<512x256xf32>
    %slice3A_86 = vector.extract_strided_slice %add3A_43 {offsets = [4608, 0], sizes = [512, 256], strides = [1, 1]} : vector<16384x256xf32> to vector<512x256xf32>
    %max3A_87 = arith.maximumf %max3A_84, %slice3A_86 : vector<512x256xf32>
    %min3A_88 = arith.minimumf %min3A_85, %slice3A_86 : vector<512x256xf32>
    %slice3A_89 = vector.extract_strided_slice %add3A_43 {offsets = [5120, 0], sizes = [512, 256], strides = [1, 1]} : vector<16384x256xf32> to vector<512x256xf32>
    %max3A_90 = arith.maximumf %max3A_87, %slice3A_89 : vector<512x256xf32>
    %min3A_91 = arith.minimumf %min3A_88, %slice3A_89 : vector<512x256xf32>
    %slice3A_92 = vector.extract_strided_slice %add3A_43 {offsets = [5632, 0], sizes = [512, 256], strides = [1, 1]} : vector<16384x256xf32> to vector<512x256xf32>
    %max3A_93 = arith.maximumf %max3A_90, %slice3A_92 : vector<512x256xf32>
    %min3A_94 = arith.minimumf %min3A_91, %slice3A_92 : vector<512x256xf32>
    %slice3A_95 = vector.extract_strided_slice %add3A_43 {offsets = [6144, 0], sizes = [512, 256], strides = [1, 1]} : vector<16384x256xf32> to vector<512x256xf32>
    %max3A_96 = arith.maximumf %max3A_93, %slice3A_95 : vector<512x256xf32>
    %min3A_97 = arith.minimumf %min3A_94, %slice3A_95 : vector<512x256xf32>
    %slice3A_98 = vector.extract_strided_slice %add3A_43 {offsets = [6656, 0], sizes = [512, 256], strides = [1, 1]} : vector<16384x256xf32> to vector<512x256xf32>
    %max3A_99 = arith.maximumf %max3A_96, %slice3A_98 : vector<512x256xf32>
    %min3A_100 = arith.minimumf %min3A_97, %slice3A_98 : vector<512x256xf32>
    %slice3A_101 = vector.extract_strided_slice %add3A_43 {offsets = [7168, 0], sizes = [512, 256], strides = [1, 1]} : vector<16384x256xf32> to vector<512x256xf32>
    %max3A_102 = arith.maximumf %max3A_99, %slice3A_101 : vector<512x256xf32>
    %min3A_103 = arith.minimumf %min3A_100, %slice3A_101 : vector<512x256xf32>
    %slice3A_104 = vector.extract_strided_slice %add3A_43 {offsets = [7680, 0], sizes = [512, 256], strides = [1, 1]} : vector<16384x256xf32> to vector<512x256xf32>
    %max3A_105 = arith.maximumf %max3A_102, %slice3A_104 : vector<512x256xf32>
    %min3A_106 = arith.minimumf %min3A_103, %slice3A_104 : vector<512x256xf32>
    %slice3A_107 = vector.extract_strided_slice %add3A_43 {offsets = [8192, 0], sizes = [512, 256], strides = [1, 1]} : vector<16384x256xf32> to vector<512x256xf32>
    %max3A_108 = arith.maximumf %max3A_105, %slice3A_107 : vector<512x256xf32>
    %min3A_109 = arith.minimumf %min3A_106, %slice3A_107 : vector<512x256xf32>
    %slice3A_110 = vector.extract_strided_slice %add3A_43 {offsets = [8704, 0], sizes = [512, 256], strides = [1, 1]} : vector<16384x256xf32> to vector<512x256xf32>
    %max3A_111 = arith.maximumf %max3A_108, %slice3A_110 : vector<512x256xf32>
    %min3A_112 = arith.minimumf %min3A_109, %slice3A_110 : vector<512x256xf32>
    %slice3A_113 = vector.extract_strided_slice %add3A_43 {offsets = [9216, 0], sizes = [512, 256], strides = [1, 1]} : vector<16384x256xf32> to vector<512x256xf32>
    %max3A_114 = arith.maximumf %max3A_111, %slice3A_113 : vector<512x256xf32>
    %min3A_115 = arith.minimumf %min3A_112, %slice3A_113 : vector<512x256xf32>
    %slice3A_116 = vector.extract_strided_slice %add3A_43 {offsets = [9728, 0], sizes = [512, 256], strides = [1, 1]} : vector<16384x256xf32> to vector<512x256xf32>
    %max3A_117 = arith.maximumf %max3A_114, %slice3A_116 : vector<512x256xf32>
    %min3A_118 = arith.minimumf %min3A_115, %slice3A_116 : vector<512x256xf32>
    %slice3A_119 = vector.extract_strided_slice %add3A_43 {offsets = [10240, 0], sizes = [512, 256], strides = [1, 1]} : vector<16384x256xf32> to vector<512x256xf32>
    %max3A_120 = arith.maximumf %max3A_117, %slice3A_119 : vector<512x256xf32>
    %min3A_121 = arith.minimumf %min3A_118, %slice3A_119 : vector<512x256xf32>
    %slice3A_122 = vector.extract_strided_slice %add3A_43 {offsets = [10752, 0], sizes = [512, 256], strides = [1, 1]} : vector<16384x256xf32> to vector<512x256xf32>
    %max3A_123 = arith.maximumf %max3A_120, %slice3A_122 : vector<512x256xf32>
    %min3A_124 = arith.minimumf %min3A_121, %slice3A_122 : vector<512x256xf32>
    %slice3A_125 = vector.extract_strided_slice %add3A_43 {offsets = [11264, 0], sizes = [512, 256], strides = [1, 1]} : vector<16384x256xf32> to vector<512x256xf32>
    %max3A_126 = arith.maximumf %max3A_123, %slice3A_125 : vector<512x256xf32>
    %min3A_127 = arith.minimumf %min3A_124, %slice3A_125 : vector<512x256xf32>
    %slice3A_128 = vector.extract_strided_slice %add3A_43 {offsets = [11776, 0], sizes = [512, 256], strides = [1, 1]} : vector<16384x256xf32> to vector<512x256xf32>
    %max3A_129 = arith.maximumf %max3A_126, %slice3A_128 : vector<512x256xf32>
    %min3A_130 = arith.minimumf %min3A_127, %slice3A_128 : vector<512x256xf32>
    %slice3A_131 = vector.extract_strided_slice %add3A_43 {offsets = [12288, 0], sizes = [512, 256], strides = [1, 1]} : vector<16384x256xf32> to vector<512x256xf32>
    %max3A_132 = arith.maximumf %max3A_129, %slice3A_131 : vector<512x256xf32>
    %min3A_133 = arith.minimumf %min3A_130, %slice3A_131 : vector<512x256xf32>
    %slice3A_134 = vector.extract_strided_slice %add3A_43 {offsets = [12800, 0], sizes = [512, 256], strides = [1, 1]} : vector<16384x256xf32> to vector<512x256xf32>
    %max3A_135 = arith.maximumf %max3A_132, %slice3A_134 : vector<512x256xf32>
    %min3A_136 = arith.minimumf %min3A_133, %slice3A_134 : vector<512x256xf32>
    %slice3A_137 = vector.extract_strided_slice %add3A_43 {offsets = [13312, 0], sizes = [512, 256], strides = [1, 1]} : vector<16384x256xf32> to vector<512x256xf32>
    %max3A_138 = arith.maximumf %max3A_135, %slice3A_137 : vector<512x256xf32>
    %min3A_139 = arith.minimumf %min3A_136, %slice3A_137 : vector<512x256xf32>
    %slice3A_140 = vector.extract_strided_slice %add3A_43 {offsets = [13824, 0], sizes = [512, 256], strides = [1, 1]} : vector<16384x256xf32> to vector<512x256xf32>
    %max3A_141 = arith.maximumf %max3A_138, %slice3A_140 : vector<512x256xf32>
    %min3A_142 = arith.minimumf %min3A_139, %slice3A_140 : vector<512x256xf32>
    %slice3A_143 = vector.extract_strided_slice %add3A_43 {offsets = [14336, 0], sizes = [512, 256], strides = [1, 1]} : vector<16384x256xf32> to vector<512x256xf32>
    %max3A_144 = arith.maximumf %max3A_141, %slice3A_143 : vector<512x256xf32>
    %min3A_145 = arith.minimumf %min3A_142, %slice3A_143 : vector<512x256xf32>
    %slice3A_146 = vector.extract_strided_slice %add3A_43 {offsets = [14848, 0], sizes = [512, 256], strides = [1, 1]} : vector<16384x256xf32> to vector<512x256xf32>
    %max3A_147 = arith.maximumf %max3A_144, %slice3A_146 : vector<512x256xf32>
    %min3A_148 = arith.minimumf %min3A_145, %slice3A_146 : vector<512x256xf32>
    %slice3A_149 = vector.extract_strided_slice %add3A_43 {offsets = [15360, 0], sizes = [512, 256], strides = [1, 1]} : vector<16384x256xf32> to vector<512x256xf32>
    %max3A_150 = arith.maximumf %max3A_147, %slice3A_149 : vector<512x256xf32>
    %min3A_151 = arith.minimumf %min3A_148, %slice3A_149 : vector<512x256xf32>
    %slice3A_152 = vector.extract_strided_slice %add3A_43 {offsets = [15872, 0], sizes = [512, 256], strides = [1, 1]} : vector<16384x256xf32> to vector<512x256xf32>
    %max3A_153 = arith.maximumf %max3A_150, %slice3A_152 : vector<512x256xf32>
    %min3A_154 = arith.minimumf %min3A_151, %slice3A_152 : vector<512x256xf32>
    %swap3A_155 = arith.constant 0 : index
    %swap3A_156 = arith.constant 0 : index
    %swap3A_157 = vector.load %arg7[%swap3A_155, %swap3A_156] : memref<512x256xf32, #tpu.memory_space<vmem>>, vector<512x256xf32>
    tpu.vector_store %arg7[%swap3A_155, %swap3A_156], %max3A_153 {strides = array<i32>} : memref<512x256xf32, #tpu.memory_space<vmem>>, vector<512x256xf32>,
    %swap3A_158 = arith.constant 0 : index
    %swap3A_159 = arith.constant 0 : index
    %swap3A_160 = vector.load %arg8[%swap3A_158, %swap3A_159] : memref<512x256xf32, #tpu.memory_space<vmem>>, vector<512x256xf32>
    tpu.vector_store %arg8[%swap3A_158, %swap3A_159], %min3A_154 {strides = array<i32>} : memref<512x256xf32, #tpu.memory_space<vmem>>, vector<512x256xf32>,
    return
  }
  func.func @transform_0(%arg0: i32) -> (i32, i32) {
    %c0_i32 = arith.constant 0 : i32
    %c0_i32_0 = arith.constant 0 : i32
    return %arg0, %c0_i32 : i32, i32
  }
  func.func @transform_1(%arg0: i32) -> (i32, i32) {
    %c0_i32 = arith.constant 0 : i32
    %c0_i32_0 = arith.constant 0 : i32
    %c0_i32_1 = arith.constant 0 : i32
    return %c0_i32, %c0_i32_0 : i32, i32
  }
  func.func @transform_2(%arg0: i32) -> (i32, i32) {
    %c0_i32 = arith.constant 0 : i32
    %c0_i32_0 = arith.constant 0 : i32
    %c0_i32_1 = arith.constant 0 : i32
    return %c0_i32, %c0_i32_0 : i32, i32
  }
  func.func @transform_3(%arg0: i32) -> (i32, i32) {
    %c0_i32 = arith.constant 0 : i32
    %c0_i32_0 = arith.constant 0 : i32
    %c0_i32_1 = arith.constant 0 : i32
    return %c0_i32, %c0_i32_0 : i32, i32
  }
  func.func @transform_4(%arg0: i32) -> (i32, i32) {
    %c0_i32 = arith.constant 0 : i32
    %c0_i32_0 = arith.constant 0 : i32
    %c0_i32_1 = arith.constant 0 : i32
    return %c0_i32, %c0_i32_0 : i32, i32
  }
  func.func @transform_5(%arg0: i32) -> (i32, i32) {
    %c0_i32 = arith.constant 0 : i32
    %c0_i32_0 = arith.constant 0 : i32
    %c0_i32_1 = arith.constant 0 : i32
    return %c0_i32, %c0_i32_0 : i32, i32
  }
  func.func @transform_6(%arg0: i32) -> (i32, i32) {
    %c0_i32 = arith.constant 0 : i32
    %c0_i32_0 = arith.constant 0 : i32
    return %arg0, %c0_i32 : i32, i32
  }
  func.func @transform_7(%arg0: i32) -> (i32, i32) {
    %c0_i32 = arith.constant 0 : i32
    %c0_i32_0 = arith.constant 0 : i32
    return %arg0, %c0_i32 : i32, i32
  }
  func.func @transform_8(%arg0: i32) -> (i32, i32) {
    %c0_i32 = arith.constant 0 : i32
    %c0_i32_0 = arith.constant 0 : i32
    %c0_i32_1 = arith.constant 0 : i32
    return %c0_i32, %c0_i32_0 : i32, i32
  }
}

module attributes {stable_mosaic.version = 14 : i64} {
  func.func @_passd_body(%arg0: i32, %arg1: memref<512x256xf32, #tpu.memory_space<vmem>>, %arg2: memref<512x256xf32, #tpu.memory_space<vmem>>, %arg3: memref<2x256xf32, #tpu.memory_space<vmem>>, %arg4: memref<1x256xf32, #tpu.memory_space<vmem>>, %arg5: memref<1x256xf32, #tpu.memory_space<vmem>>, %arg6: memref<1x256x512xf32, #tpu.memory_space<vmem>>) attributes {dimension_semantics = [#tpu.dimension_semantics<arbitrary>], iteration_bounds = array<i64: 8>, scalar_prefetch = 0 : i64, scratch_operands = 0 : i64, tpu.core_type = #tpu.core_type<tc>, window_params = [{transform_indices = @transform_0, window_bounds = array<i64: 512, 256>}, {transform_indices = @transform_1, window_bounds = array<i64: 512, 256>}, {pipeline_mode = #tpu.pipeline_mode<synchronous>, transform_indices = @transform_2, window_bounds = array<i64: 2, 256>}, {pipeline_mode = #tpu.pipeline_mode<synchronous>, transform_indices = @transform_3, window_bounds = array<i64: 1, 256>}, {pipeline_mode = #tpu.pipeline_mode<synchronous>, transform_indices = @transform_4, window_bounds = array<i64: 1, 256>}, {transform_indices = @transform_5, window_bounds = array<i64: 1, 256, 512>}]} {
    %get3A = arith.constant 0 : index
    %get3A_0 = arith.constant 0 : index
    %get3A_1 = vector.load %arg3[%get3A, %get3A_0] : memref<2x256xf32, #tpu.memory_space<vmem>>, vector<1x256xf32>
    %div3A = arith.constant 1.310720e+05 : f32
    %div3A_2 = vector.broadcast %div3A : f32 to vector<1x256xf32>
    %div3A_3 = arith.divf %get3A_1, %div3A_2 : vector<1x256xf32>
    %get3A_4 = arith.constant 1 : index
    %get3A_5 = arith.constant 0 : index
    %get3A_6 = vector.load %arg3[%get3A_4, %get3A_5] : memref<2x256xf32, #tpu.memory_space<vmem>>, vector<1x256xf32>
    %div3A_7 = arith.constant 1.310720e+05 : f32
    %div3A_8 = vector.broadcast %div3A_7 : f32 to vector<1x256xf32>
    %div3A_9 = arith.divf %get3A_6, %div3A_8 : vector<1x256xf32>
    %mul3A = arith.mulf %div3A_3, %div3A_3 : vector<1x256xf32>
    %sub3A = arith.subf %div3A_9, %mul3A : vector<1x256xf32>
    %add3A = arith.constant 9.99999974E-6 : f32
    %add3A_10 = vector.broadcast %add3A : f32 to vector<1x256xf32>
    %add3A_11 = arith.addf %sub3A, %add3A_10 : vector<1x256xf32>
    %sqrt3A = math.sqrt %add3A_11 : vector<1x256xf32>
    %div3A_12 = arith.constant 1.000000e+00 : f32
    %div3A_13 = vector.broadcast %div3A_12 : f32 to vector<1x256xf32>
    %div3A_14 = arith.divf %div3A_13, %sqrt3A : vector<1x256xf32>
    %get3A_15 = arith.constant 0 : index
    %get3A_16 = arith.constant 0 : index
    %get3A_17 = vector.load %arg4[%get3A_15, %get3A_16] : memref<1x256xf32, #tpu.memory_space<vmem>>, vector<1x256xf32>
    %mul3A_18 = arith.mulf %div3A_14, %get3A_17 : vector<1x256xf32>
    %get3A_19 = arith.constant 0 : index
    %get3A_20 = arith.constant 0 : index
    %get3A_21 = vector.load %arg5[%get3A_19, %get3A_20] : memref<1x256xf32, #tpu.memory_space<vmem>>, vector<1x256xf32>
    %mul3A_22 = arith.mulf %div3A_3, %mul3A_18 : vector<1x256xf32>
    %sub3A_23 = arith.subf %get3A_21, %mul3A_22 : vector<1x256xf32>
    %gt3A = arith.constant 0.000000e+00 : f32
    %gt3A_24 = vector.broadcast %gt3A : f32 to vector<1x256xf32>
    %gt3A_25 = arith.cmpf ogt, %mul3A_18, %gt3A_24 : vector<1x256xf32>
    %get3A_26 = arith.constant 0 : index
    %get3A_27 = arith.constant 0 : index
    %get3A_28 = vector.load %arg1[%get3A_26, %get3A_27] : memref<512x256xf32, #tpu.memory_space<vmem>>, vector<512x256xf32>
    %get3A_29 = arith.constant 0 : index
    %get3A_30 = arith.constant 0 : index
    %get3A_31 = vector.load %arg2[%get3A_29, %get3A_30] : memref<512x256xf32, #tpu.memory_space<vmem>>, vector<512x256xf32>
    %broadcast_in_dim3A = vector.shape_cast %gt3A_25 : vector<1x256xi1> to vector<1x256xi1>
    %broadcast_in_dim3A_32 = vector.broadcast %broadcast_in_dim3A : vector<1x256xi1> to vector<512x256xi1>
    %select_n3A = arith.select %broadcast_in_dim3A_32, %get3A_28, %get3A_31 : vector<512x256xi1>, vector<512x256xf32>
    %mul3A_33 = vector.broadcast %mul3A_18 : vector<1x256xf32> to vector<512x256xf32>
    %mul3A_34 = arith.mulf %select_n3A, %mul3A_33 : vector<512x256xf32>
    %add3A_35 = vector.broadcast %sub3A_23 : vector<1x256xf32> to vector<512x256xf32>
    %add3A_36 = arith.addf %mul3A_34, %add3A_35 : vector<512x256xf32>
    %max3A = arith.constant 0.000000e+00 : f32
    %max3A_37 = vector.broadcast %max3A : f32 to vector<512x256xf32>
    %max3A_38 = arith.maximumf %add3A_36, %max3A_37 : vector<512x256xf32>
    %iota3A = tpu.iota {dimensions = array<i32: 0>} : vector<512x512xi32>
    %iota3A_39 = tpu.iota {dimensions = array<i32: 1>} : vector<512x512xi32>
    %eq3A = arith.cmpi eq, %iota3A, %iota3A_39 : vector<512x512xi32>
    %convert_element_type3A = arith.extui %eq3A : vector<512x512xi1> to vector<512x512xi32>
    %convert_element_type3A_40 = arith.sitofp %convert_element_type3A : vector<512x512xi32> to vector<512x512xf32>
    %dot_general3A = arith.constant dense<0.000000e+00> : vector<256x512xf32>
    %dot_general3A_41 = tpu.matmul %max3A_38, %convert_element_type3A_40, %dot_general3A {dimension_numbers = #tpu.dot_dimension_numbers<[0], [0], [1], [1], [0, 1, 1, 1], [], []>, transpose_lhs_hint = false} : vector<512x256xf32>, vector<512x512xf32>, vector<256x512xf32> -> vector<256x512xf32>
    %swap3A = arith.constant 0 : index
    %swap3A_42 = arith.constant 0 : index
    %swap3A_43 = arith.constant 0 : index
    %swap3A_44 = vector.load %arg6[%swap3A, %swap3A_42, %swap3A_43] : memref<1x256x512xf32, #tpu.memory_space<vmem>>, vector<1x256x512xf32>
    %swap3A_45 = vector.shape_cast %swap3A_44 : vector<1x256x512xf32> to vector<256x512xf32>
    %swap3A_46 = vector.shape_cast %dot_general3A_41 : vector<256x512xf32> to vector<1x256x512xf32>
    tpu.vector_store %arg6[%swap3A, %swap3A_42, %swap3A_43], %swap3A_46 {strides = array<i32>} : memref<1x256x512xf32, #tpu.memory_space<vmem>>, vector<1x256x512xf32>,
    return
  }
  func.func @transform_0(%arg0: i32) -> (i32, i32) {
    %c0_i32 = arith.constant 0 : i32
    %c0_i32_0 = arith.constant 0 : i32
    return %arg0, %c0_i32 : i32, i32
  }
  func.func @transform_1(%arg0: i32) -> (i32, i32) {
    %c0_i32 = arith.constant 0 : i32
    %c0_i32_0 = arith.constant 0 : i32
    return %arg0, %c0_i32 : i32, i32
  }
  func.func @transform_2(%arg0: i32) -> (i32, i32) {
    %c0_i32 = arith.constant 0 : i32
    %c0_i32_0 = arith.constant 0 : i32
    %c0_i32_1 = arith.constant 0 : i32
    return %c0_i32, %c0_i32_0 : i32, i32
  }
  func.func @transform_3(%arg0: i32) -> (i32, i32) {
    %c0_i32 = arith.constant 0 : i32
    %c0_i32_0 = arith.constant 0 : i32
    %c0_i32_1 = arith.constant 0 : i32
    return %c0_i32, %c0_i32_0 : i32, i32
  }
  func.func @transform_4(%arg0: i32) -> (i32, i32) {
    %c0_i32 = arith.constant 0 : i32
    %c0_i32_0 = arith.constant 0 : i32
    %c0_i32_1 = arith.constant 0 : i32
    return %c0_i32, %c0_i32_0 : i32, i32
  }
  func.func @transform_5(%arg0: i32) -> (i32, i32, i32) {
    %c0_i32 = arith.constant 0 : i32
    %c0_i32_0 = arith.constant 0 : i32
    %c0_i32_1 = arith.constant 0 : i32
    return %arg0, %c0_i32, %c0_i32_0 : i32, i32, i32
  }
}

</mosaic_0001>

<sc_bundles>
// kernel: kernel.9.cloned.1.call-start
scs
__scs_entry_jumppad:
0x0: {  	(pc) =	sbr.rel $0x88, $3  }
0x1: {  	(tag) =	ssettag $0x0;
	lr =	simm.s32 $0x1  }
0x2: {  	[smem:$0x3F93] =	sst lr;
	_ =	strace $0xD0000000  }
0x3: {  	_ = 	snop  }
0x4: {  	_ = 	snop  }
0x5: {  	_ = 	snop  }
0x6: {  	_ = 	snop  }
0x7: {  	_ = 	snop  }
__scs_overlays_trampoline_lowered:
0x8: {  	[smem:$0x3FA2] =	sst s0  }
0x9: {  	[smem:$0x3FA3] =	sst s1  }
0xa: {  	[smem:$0x3FA4] =	sst s2  }
0xb: {  	[smem:$0x3FA5] =	sst s3  }
0xc: {  	[smem:$0x3FA6] =	sst s4  }
0xd: {  	[smem:$0x3FA7] =	sst s5  }
0xe: {  	[smem:$0x3FA8] =	sst s6  }
0xf: {  	[smem:$0x3FA9] =	sst s7  }
0x10: {  	[smem:$0x3FAA] =	sst s8  }
0x11: {  	[smem:$0x3FAB] =	sst s9;
	s0 =	simm.s32 @!p0 $0x0  }
0x12: {  	s1 =	sld [smem:$0x3F91];
	s0 =	simm.s32 @p0 $0x1  }
0x13: {  	[smem:$0x3FAC] =	sst s0;
	s0 =	simm.s32 @!p1 $0x0  }
0x14: {  	s2 =	sld [smem:$0x3F90];
	s0 =	simm.s32 @p1 $0x1  }
0x15: {  	[smem:$0x3FAD] =	sst s0;
	s0 =	simm.s32 @!p2 $0x0  }
0x16: {  	s3 =	sld [smem:$0x3FDB];
	s0 =	simm.s32 @p2 $0x1  }
0x17: {  	s4 =	simm.s32 $0x1BF5;
	[smem:$0x3FAF] =	sst s0  }
0x18: {  	s0 =	sld [smem:$0x3F92];
	_ =	swait.ge [sflag:s4], $0x0  }
0x19: {  	s7 =	sld [smem:$0x3F93]  }
0x1a: {  	s8 =	sadd.s32 $0xFFFFE003, lr  }
0x1b: {  	s9 =	sadd.s32 $0xFFFFFEF7, lr;
	s5 =	simm.s32 $0xFFFFFFFF;
	p2 =	slt.u32 s8, $0xFFFFF086  }
0x1c: {  	p1 =	slt.u32 s9, $0xF7A;
	s5 =	simm.s32 @!p2 $0x0  }
0x1d: {  	s5 =	simm.s32 @p1 $0x1;
	p0 =	seq.s32 s7, s2  }
0x1e: {  	s7 =	smul.u32 @!p0 $0xF7A, s2;
	p2 =	seq.s32 @!p0 s5, $0x0  }
0x1f: {  	s9 =	smul.u32 $0xF7A, s1;
	s8 =	simm.s32 @!p0 $0x1BF5;
	p2 =	por !p2, p0  }
0x20: {  	[sflag:s8] =	ssyncset.s32 @!p0 $0xFFFFF086;
	s6 =	sadd.s32 @!p0 s3, s7;
	s7 =	simm.s32 @!p0 $0x108  }
0x21: {  	s3 =	sadd.s32 s3, s9;
	s6 =	sadd.s32 @!p0 $0x88, s6;
	s7 =	simm.s32 @p2 $0x1082  }
0x22: {  	[simem:s7], [sflag:s8] =	dma.local @!p0 [hbm:s6], $0xF7A  }
0x23: {  	s9 =	sor.u32 $0xD0000000, s2;
	s6 =	simm.s32 $0x108;
	_ =	swait.ge @!p0 [sflag:s8], $0x0  }
0x24: {  	s3 =	sadd.s32 $0x88, s3;
	s6 =	simm.s32 @!p1 $0x1082;
	[sflag:s4] =	ssyncset.s32 $0xFFFFF086  }
0x25: {  	[simem:s6], [sflag:s4] =	dma.local [hbm:s3], $0xF7A  }
0x26: {  	[smem:$0x3F93] =	sst s1;
	(tag) =	ssettag s2;
	_ =	strace s9  }
0x27: {  	s1 =	sld [smem:$0x3FA3]  }
0x28: {  	s2 =	sld [smem:$0x3FA4]  }
0x29: {  	s4 =	sld [smem:$0x3FA6]  }
0x2a: {  	p0 =	seq.s32 s5, $0x0;
	s5 =	sld [smem:$0x3FA7]  }
0x2b: {  	s6 =	sld [smem:$0x3FA8]  }
0x2c: {  	s7 =	sld [smem:$0x3FA9]  }
0x2d: {  	s3 =	simm.s32 $0x108;
	s8 =	sld [smem:$0x3FAA]  }
0x2e: {  	s3 =	simm.s32 @!p0 $0x1082;
	s9 =	sld [smem:$0x3FAB]  }
0x2f: {  	lr =	sadd.s32 s0, s3;
	s0 =	sld [smem:$0x3FA2]  }
0x30: {  	s3 =	sld [smem:$0x3FA5]  }
0x31: {  	[smem:$0x3FAE] =	sst s10  }
0x32: {  	s10 =	sld [smem:$0x3FAC];
	_ =	sdelay $0x3  }
0x33: {  	p0 =	seq.s32 s10, $0x1;
	s10 =	sld [smem:$0x3FAE];
	_ =	sdelay $0x3  }
0x34: {  	[smem:$0x3FAE] =	sst s10  }
0x35: {  	s10 =	sld [smem:$0x3FAD];
	_ =	sdelay $0x3  }
0x36: {  	p1 =	seq.s32 s10, $0x1;
	s10 =	sld [smem:$0x3FAE];
	_ =	sdelay $0x3  }
0x37: {  	[smem:$0x3FAE] =	sst s10  }
0x38: {  	s10 =	sld [smem:$0x3FAF]  }
0x39: {  	_ = 	snop;
	(pc) =	sbr.ind lr, $3  }
0x3a: {  	_ = 	snop  }
0x3b: {  	_ = 	snop  }
0x3c: {  	p2 =	seq.s32 s10, $0x1;
	s10 =	sld [smem:$0x3FAE]  }
0x3d: {  	_ =	shalt  }
0x3e: {  	_ =	shalt  }
0x3f: {  	_ =	shalt  }
0x40: {  	_ =	shalt  }
0x41: {  	_ =	shalt  }
0x42: {  	_ =	shalt  }
0x43: {  	_ =	shalt  }
0x44: {  	_ =	shalt  }
0x45: {  	_ =	shalt  }
0x46: {  	_ =	shalt  }
0x47: {  	_ =	shalt  }
0x48: {  	_ =	shalt  }
0x49: {  	_ =	shalt  }
0x4a: {  	_ =	shalt  }
0x4b: {  	_ =	shalt  }
0x4c: {  	_ =	shalt  }
0x4d: {  	_ =	shalt  }
0x4e: {  	_ =	shalt  }
0x4f: {  	_ =	shalt  }
0x50: {  	_ =	shalt  }
0x51: {  	_ =	shalt  }
0x52: {  	_ =	shalt  }
0x53: {  	_ =	shalt  }
0x54: {  	_ =	shalt  }
0x55: {  	_ =	shalt  }
0x56: {  	_ =	shalt  }
0x57: {  	_ =	shalt  }
0x58: {  	_ =	shalt  }
0x59: {  	_ =	shalt  }
0x5a: {  	_ =	shalt  }
0x5b: {  	_ =	shalt  }
0x5c: {  	_ =	shalt  }
0x5d: {  	_ =	shalt  }
0x5e: {  	_ =	shalt  }
0x5f: {  	_ =	shalt  }
0x60: {  	_ =	shalt  }
0x61: {  	_ =	shalt  }
0x62: {  	_ =	shalt  }
0x63: {  	_ =	shalt  }
0x64: {  	_ =	shalt  }
0x65: {  	_ =	shalt  }
0x66: {  	_ =	shalt  }
0x67: {  	_ =	shalt  }
0x68: {  	_ =	shalt  }
0x69: {  	_ =	shalt  }
0x6a: {  	_ =	shalt  }
0x6b: {  	_ =	shalt  }
0x6c: {  	_ =	shalt  }
0x6d: {  	_ =	shalt  }
0x6e: {  	_ =	shalt  }
0x6f: {  	_ =	shalt  }
0x70: {  	_ =	shalt  }
0x71: {  	_ =	shalt  }
0x72: {  	_ =	shalt  }
0x73: {  	_ =	shalt  }
0x74: {  	_ =	shalt  }
0x75: {  	_ =	shalt  }
0x76: {  	_ =	shalt  }
0x77: {  	_ =	shalt  }
0x78: {  	_ =	shalt  }
0x79: {  	_ =	shalt  }
0x7a: {  	_ =	shalt  }
0x7b: {  	_ =	shalt  }
0x7c: {  	_ =	shalt  }
0x7d: {  	_ =	shalt  }
0x7e: {  	_ =	shalt  }
0x7f: {  	_ =	shalt  }
0x80: {  	_ =	shalt  }
0x81: {  	_ =	shalt  }
0x82: {  	_ =	shalt  }
0x83: {  	_ =	shalt  }
0x84: {  	_ =	shalt  }
0x85: {  	_ =	shalt  }
0x86: {  	_ =	shalt  }
0x87: {  	_ =	shalt  }
.Lfunc_end0:
.L_simem_size_0:
called_computation_lowered:
.L_overlay_start_0:
0x88: {  	s2 =	sld [smem:$0x3FD9]  }
0x89: {  	s3 =	sld [smem:$0x3FFE];
	_ =	sdelay $0x1  }
0x8a: {  	s1 =	srdreg.scid  }
0x8b: {  	s0 =	sand.u32 $0x1, s1  }
0x8c: {  	s14 =	sshll.u32 s0, $0xA;
	s2 =	sadd.s32 s3, s2  }
0x8d: {  	s2 =	sadd.s32 s2, s14  }
0x8e: {  	[smem:$0x3FBA] =	sst s2  }
0x8f: {  	_ = 	snop  }
0x90: {  	s2 =	sld [smem:$0x3FD0];
	_ =	sdelay $0x2  }
0x91: {  	s15 =	simm.s32 $0xA;
	s4 =	simm.s32 $0x10  }
0x92: {  	[smem:s4], [sflag:s15] =	dma.local [hbm:s2], $0x1  }
0x93: {  	_ =	swait.eq [sflag:s15], $0x1  }
0x94: {  	[sflag:s15] =	ssyncset.done $0x0  }
0x95: {  	[sflag:s15] =	ssyncadd.s32 $0xFFFFFFFF  }
0x96: {  	s16 =	sld [smem:$0x11];
	(tm) =	ssettm $0x1  }
0x97: {  	s17 =	sld [smem:$0x3FFB];
	_ =	sdelay $0x3  }
0x98: {  	_ =	strace s17  }
0x99: {  	s3 =	sld [smem:$0x3FFC];
	_ =	sdelay $0x3  }
0x9a: {  	_ =	strace s3  }
0x9b: {  	s3 =	sld [smem:$0x3FFD];
	_ =	sdelay $0x3  }
0x9c: {  	_ =	strace s3  }
0x9d: {  	_ =	strace $0x8FFFFFFF  }
0x9e: {  	s18 =	sld [smem:$0x3FDB];
	_ =	sdelay $0x1  }
0x9f: {  	s19 =	simm.s32 $_scs_section_size  }
0xa0: {  	s5 =	simm.s32 $_size__tile_overlayer_lowered;
	s6 =	simm.s32 $_tile_overlayer_lowered  }
0xa1: {  	s22 =	simm.s32 $0x1BFF;
	s21 =	sshll.u32 s6, $0x1;
	s3 =	sadd.s32 s19, s18  }
0xa2: {  	s7 =	simm.s32 $0x0;
	s20 =	sshll.u32 s5, $0x1;
	s5 =	sadd.s32 s21, s3  }
0xa3: {  	[timem:s7], [sflag:s22] =	dma.local [hbm:s5], s20  }
0xa4: {  	_ =	swait.ge [sflag:s22], s20  }
0xa5: {  	s4 =	ssub.s32 $0x0, s20;
	[sflag:s22] =	ssyncset.done $0x0  }
0xa6: {  	[sflag:s22] =	ssyncadd.s32 s4;
	_ =	sdelay $0x1  }
0xa7: {  	s23 =	simm.s32 $0x1B8B  }
0xa8: {  	_ =	swait.ge [sflag:s23], $0x1  }
0xa9: {  	[sflag:s23] =	ssyncset.done $0x0  }
0xaa: {  	s25 =	simm.s32 $0x1B8E;
	s24 =	sld [smem:$0x3FFE];
	[sflag:s23] =	ssyncadd.s32 $0xFFFFFFFF  }
0xab: {  	s26 =	simm.s32 $execute0_lowered;
	[smem:$0x3FD2] =	sst s25  }
0xac: {  	s5 =	sshll.u32 s26, $0x1;
	_ =	strace $0x80000046;
	[dreg:$0x1] =	wrdreg $0xFFFFFFFF  }
0xad: {  	s28 =	simm.s32 $_size_execute0_lowered;
	s3 =	sadd.s32 s3, s5;
	[dreg:$0x0] =	wrdreg $0x0  }
0xae: {  	s5 =	sshll.u32 s28, $0x1;
	[dreg:$0x2] =	wrdreg s3  }
0xaf: {  	[dreg:$0x3] =	wrdreg s5  }
0xb0: {  	[dreg:$0x4] =	wrdreg $0xC0  }
0xb1: {  	_ =	task [dreg:s7], $0x5FFFF  }
0xb2: {  	[dreg:$0x1] =	wrdreg $0xFFFFFFFF  }
0xb3: {  	[dreg:$0x0] =	wrdreg $0x60  }
0xb4: {  	[dreg:$0x2] =	wrdreg s24  }
0xb5: {  	[dreg:$0x3] =	wrdreg s16  }
0xb6: {  	[dreg:$0x4] =	wrdreg $0x9  }
0xb7: {  	_ =	task.clear_ibuf [dreg:s7], $0x5FFFF;
	_ =	strace $0x90000046  }
0xb8: {  	s29 =	simm.s32 $0x9;
	_ =	strace $0x80000048  }
0xb9: {  	_ =	swait.ge [sflag:s29], $0x1  }
0xba: {  	[sflag:s29] =	ssyncadd.s32 $0xFFFFFFFF  }
0xbb: {  	_ =	strace $0x90000048  }
0xbc: {  	_ =	sfence  }
0xbd: {  	s30 =	sld [smem:$0x0];
	_ =	sdelay $0x2  }
0xbe: {  	s31 =	sshll.u32 s1, $0xD;
	s1 =	sshrl.u32 s1, $0x2  }
0xbf: {  	s3 =	sand.u32 $0x4000, s31;
	s1 =	sadd.s32 s1, s30  }
0xc0: {  	s0 =	sor.u32 s3, s0;
	s1 =	sshll.u32 s1, $0x11  }
0xc1: {  	s0 =	sor.u32 s1, s0  }
0xc2: {  	s0 =	sadd.s32 $0x8F2B, s0  }
0xc3: {  	[sflag:s0] =	ssyncadd.remote.s32 $0x1  }
0xc4: {  	_ =	sfence.sel $0xFFFF  }
0xc5: {  	[dreg:$0x0] =	wrdreg $0xFFFFFFFF;
	(pc) =	sbr.abs _section_cstart, $3  }
0xc6: {  	[dreg:$0x1] =	wrdreg $0xFFFFFFFF  }
0xc7: {  	_ =	task.clear_ibuf [dreg:s7], $0x2FFFF;
	_ =	strace $0x9FFFFFFF  }
0xc8: {  	(tm) =	ssettm $0x7FFFFFFF  }
0xc9: {  	_ =	shalt  }
tec
execute0_lowered:
.L_overlay_start_1:
0x0: {  	(tag) =	ssettag $0x1  }
0x1: {  	s4 =	rddreg [dreg:$0x0]  }
0x2: {  	s5 =	rddreg [dreg:$0x1]  }
0x3: {  	s0 =	rddreg [dreg:$0x2]  }
0x4: {  	s2 =	simm.s32 $0x0;
	s3 =	srdreg.scid;
	s1 =	stileid.u32  }
0x5: {  	s13 =	simm.s32 $0x1000;
	s14 =	simm.s32 $0x5000;
	s15 =	simm.s32 $0x100  }
0x6: {  	s16 =	simm.s32 $0x9000;
	s17 =	simm.s32 $0x180;
	s18 =	simm.s32 $0xD000  }
0x7: {  	s19 =	simm.s32 $0x1;
	s20 =	simm.s32 $0x2;
	s21 =	simm.s32 $0x0  }
0x8: {  	[smem:$0x7FF] =	sst s2;
	s10 =	sand.u32 $0x1, s3;
	s3 =	sadd.s32 $0x82C00, s4  }
0x9: {  	s7 =	sshll.u32 s1, $0x1;
	s11 =	sadd.s32 $0x102C00, s4;
	s12 =	sshll.u32 s1, $0x11  }
0xa: {  	_ =	strace $0x80000047;
	s6 =	ssub.s32 $0x2, s10;
	s7 =	sor.u32 s10, s7  }
0xb: {  	s10 =	sshll.u32 s10, $0x10;
	s30 =	sshrl.u32 s6, $0x1;
	s31 =	sshll.u32 s7, $0x9  }
0xc: {  	s7 =	sshll.u32 s7, $0x10;
	s6 =	ssub.s32 s6, s30;
	s4 =	sadd.s32 s5, s31  }
0xd: {  	s5 =	sadd.s32 s11, s7;
	s11 =	sadd.s32 s12, s11;
	s12 =	simm.s32 $0x80  }
0xe: {  	s6 =	smax.u32 s6, $0x1;
	s7 =	sadd.s32 $0x800, s5;
	s8 =	sadd.s32 $0x1000, s5  }
0xf: {  	s9 =	sadd.s32 $0x1800, s5;
	s10 =	sadd.s32 s10, s11;
	s11 =	simm.s32 $0x3  }
.LBB2_1:
0x10: {  	[tilespmem:s2], [sflag:$0x3] =	stream.linear.gather [hbm4b:s4+s2], $0x1000, $0x38;
	[tilespmem:$0x11000] =	vst v63  }
0x11: {  	_ =	swait.ge [sflag:s11], $0x1000  }
0x12: {  	[sflag:s11] =	ssyncset.done $0x0  }
0x13: {  	[sflag:s11] =	ssyncadd.s32 $0xFFFFF000  }
0x14: {  	[tilespmem:s13], [sflag:$0x1] =	stream.indirect.gather [hbm4b:s3+s12], $0x80, s2, s12, $0xb8;
	[tilespmem:$0x11000] =	vst v63  }
0x15: {  	_ = 	snop  }
0x16: {  	[tilespmem:s14], [sflag:$0x1] =	stream.indirect.gather [hbm4b:s3+s12], $0x80, s12, s12, $0xb8;
	[tilespmem:$0x11000] =	vst v63  }
0x17: {  	_ = 	snop  }
0x18: {  	[tilespmem:s16], [sflag:$0x1] =	stream.indirect.gather [hbm4b:s3+s12], $0x80, s15, s12, $0xb8;
	[tilespmem:$0x11000] =	vst v63  }
0x19: {  	_ = 	snop  }
0x1a: {  	[tilespmem:s18], [sflag:$0x1] =	stream.indirect.gather [hbm4b:s3+s12], $0x80, s17, s12, $0xb8;
	[tilespmem:$0x11000] =	vst v63  }
0x1b: {  	_ =	swait.ge [sflag:s19], $0x4000  }
0x1c: {  	[sflag:s19] =	ssyncset.done $0x0  }
0x1d: {  	[sflag:s19] =	ssyncadd.s32 $0xFFFFC000  }
0x1e: {  	[hbm4b:s5+s2] =	stream.linear.scatter [tilespmem:s13], [sflag:$0x2], $0x4000, $0x38;
	[tilespmem:$0x11000] =	vst v63  }
0x1f: {  	_ =	swait.ge [sflag:s19], $0x4000  }
0x20: {  	[sflag:s19] =	ssyncset.done $0x0  }
0x21: {  	[sflag:s19] =	ssyncadd.s32 $0xFFFFC000  }
0x22: {  	[hbm4b:s7+s2] =	stream.linear.scatter [tilespmem:s14], [sflag:$0x2], $0x4000, $0x38;
	[tilespmem:$0x11000] =	vst v63  }
0x23: {  	_ =	swait.ge [sflag:s19], $0x4000  }
0x24: {  	[sflag:s19] =	ssyncset.done $0x0  }
0x25: {  	[sflag:s19] =	ssyncadd.s32 $0xFFFFC000  }
0x26: {  	[hbm4b:s8+s2] =	stream.linear.scatter [tilespmem:s16], [sflag:$0x2], $0x4000, $0x38;
	[tilespmem:$0x11000] =	vst v63  }
0x27: {  	_ =	swait.ge [sflag:s19], $0x4000  }
0x28: {  	[sflag:s19] =	ssyncset.done $0x0  }
0x29: {  	[sflag:s19] =	ssyncadd.s32 $0xFFFFC000  }
0x2a: {  	[hbm4b:s9+s2] =	stream.linear.scatter [tilespmem:s18], [sflag:$0x2], $0x4000, $0x38;
	[tilespmem:$0x11000] =	vst v63  }
0x2b: {  	_ =	swait.ge [sflag:s20], $0x4000  }
0x2c: {  	[sflag:s20] =	ssyncset.done $0x0  }
0x2d: {  	[sflag:s20] =	ssyncadd.s32 $0xFFFFC000  }
0x2e: {  	_ =	swait.ge [sflag:s20], $0x4000  }
0x2f: {  	[sflag:s20] =	ssyncset.done $0x0  }
0x30: {  	[sflag:s20] =	ssyncadd.s32 $0xFFFFC000  }
0x31: {  	_ =	swait.ge [sflag:s20], $0x4000  }
0x32: {  	[sflag:s20] =	ssyncset.done $0x0  }
0x33: {  	[sflag:s20] =	ssyncadd.s32 $0xFFFFC000  }
0x34: {  	_ =	swait.ge [sflag:s20], $0x4000  }
0x35: {  	[sflag:s20] =	ssyncset.done $0x0  }
0x36: {  	s22 =	simm.s32 $0x200;
	[sflag:s20] =	ssyncadd.s32 $0xFFFFC000  }
0x37: {  	[tilespmem:s13], [sflag:$0x1] =	stream.indirect.gather [hbm4b:s3+s12], $0x80, s22, s12, $0xb8;
	[tilespmem:$0x11000] =	vst v63  }
0x38: {  	s25 =	simm.s32 $0x280  }
0x39: {  	[tilespmem:s14], [sflag:$0x1] =	stream.indirect.gather [hbm4b:s3+s12], $0x80, s25, s12, $0xb8;
	[tilespmem:$0x11000] =	vst v63  }
0x3a: {  	s26 =	simm.s32 $0x300  }
0x3b: {  	[tilespmem:s16], [sflag:$0x1] =	stream.indirect.gather [hbm4b:s3+s12], $0x80, s26, s12, $0xb8;
	[tilespmem:$0x11000] =	vst v63  }
0x3c: {  	s28 =	simm.s32 $0x380  }
0x3d: {  	[tilespmem:s18], [sflag:$0x1] =	stream.indirect.gather [hbm4b:s3+s12], $0x80, s28, s12, $0xb8;
	[tilespmem:$0x11000] =	vst v63  }
0x3e: {  	_ =	swait.ge [sflag:s19], $0x4000  }
0x3f: {  	s23 =	sadd.s32 $0x0, s10;
	[sflag:s19] =	ssyncset.done $0x0  }
0x40: {  	s29 =	sadd.s32 $0x2000, s23;
	[sflag:s19] =	ssyncadd.s32 $0xFFFFC000  }
0x41: {  	[hbm4b:s29+s2] =	stream.linear.scatter [tilespmem:s13], [sflag:$0x2], $0x4000, $0x38;
	[tilespmem:$0x11000] =	vst v63  }
0x42: {  	_ =	swait.ge [sflag:s19], $0x4000  }
0x43: {  	[sflag:s19] =	ssyncset.done $0x0  }
0x44: {  	s30 =	sadd.s32 $0x2800, s23;
	[sflag:s19] =	ssyncadd.s32 $0xFFFFC000  }
0x45: {  	[hbm4b:s30+s2] =	stream.linear.scatter [tilespmem:s14], [sflag:$0x2], $0x4000, $0x38;
	[tilespmem:$0x11000] =	vst v63  }
0x46: {  	_ =	swait.ge [sflag:s19], $0x4000  }
0x47: {  	[sflag:s19] =	ssyncset.done $0x0  }
0x48: {  	s31 =	sadd.s32 $0x3000, s23;
	[sflag:s19] =	ssyncadd.s32 $0xFFFFC000  }
0x49: {  	[hbm4b:s31+s2] =	stream.linear.scatter [tilespmem:s16], [sflag:$0x2], $0x4000, $0x38;
	[tilespmem:$0x11000] =	vst v63  }
0x4a: {  	_ =	swait.ge [sflag:s19], $0x4000  }
0x4b: {  	s24 =	sadd.s32 $0x3800, s23;
	[sflag:s19] =	ssyncset.done $0x0  }
0x4c: {  	s23 =	simm.s32 $0x400;
	s22 =	simm.s32 $0x2000;
	[sflag:s19] =	ssyncadd.s32 $0xFFFFC000  }
.LBB2_2:
0x4d: {  	[hbm4b:s24+s2] =	stream.linear.scatter [tilespmem:s18], [sflag:$0x2], $0x4000, $0x38;
	[tilespmem:$0x11000] =	vst v63  }
0x4e: {  	s24 =	smov.u32 s22  }
0x4f: {  	p0 =	sne.s32 s22, $0xC000;
	s22 =	sadd.s32 $0x2000, s22;
	_ =	swait.ge [sflag:s20], $0x4000  }
0x50: {  	[sflag:s20] =	ssyncset.done $0x0  }
0x51: {  	[sflag:s20] =	ssyncadd.s32 $0xFFFFC000  }
0x52: {  	_ =	swait.ge [sflag:s20], $0x4000  }
0x53: {  	[sflag:s20] =	ssyncset.done $0x0  }
0x54: {  	[sflag:s20] =	ssyncadd.s32 $0xFFFFC000  }
0x55: {  	_ =	swait.ge [sflag:s20], $0x4000  }
0x56: {  	[sflag:s20] =	ssyncset.done $0x0  }
0x57: {  	[sflag:s20] =	ssyncadd.s32 $0xFFFFC000  }
0x58: {  	_ =	swait.ge [sflag:s20], $0x4000  }
0x59: {  	[sflag:s20] =	ssyncset.done $0x0  }
0x5a: {  	[sflag:s20] =	ssyncadd.s32 $0xFFFFC000  }
0x5b: {  	[tilespmem:s13], [sflag:$0x1] =	stream.indirect.gather [hbm4b:s3+s12], $0x80, s23, s12, $0xb8;
	[tilespmem:$0x11000] =	vst v63  }
0x5c: {  	s25 =	sadd.s32 $0x80, s23  }
0x5d: {  	[tilespmem:s14], [sflag:$0x1] =	stream.indirect.gather [hbm4b:s3+s12], $0x80, s25, s12, $0xb8;
	[tilespmem:$0x11000] =	vst v63  }
0x5e: {  	s25 =	sadd.s32 $0x100, s23  }
0x5f: {  	[tilespmem:s16], [sflag:$0x1] =	stream.indirect.gather [hbm4b:s3+s12], $0x80, s25, s12, $0xb8;
	[tilespmem:$0x11000] =	vst v63  }
0x60: {  	s25 =	sadd.s32 $0x180, s23  }
0x61: {  	[tilespmem:s18], [sflag:$0x1] =	stream.indirect.gather [hbm4b:s3+s12], $0x80, s25, s12, $0xb8;
	[tilespmem:$0x11000] =	vst v63  }
0x62: {  	_ =	swait.ge [sflag:s19], $0x4000  }
0x63: {  	s24 =	sadd.s32 s24, s10;
	[sflag:s19] =	ssyncset.done $0x0  }
0x64: {  	s25 =	sadd.s32 $0x2000, s24;
	[sflag:s19] =	ssyncadd.s32 $0xFFFFC000  }
0x65: {  	[hbm4b:s25+s2] =	stream.linear.scatter [tilespmem:s13], [sflag:$0x2], $0x4000, $0x38;
	[tilespmem:$0x11000] =	vst v63  }
0x66: {  	_ =	swait.ge [sflag:s19], $0x4000  }
0x67: {  	[sflag:s19] =	ssyncset.done $0x0  }
0x68: {  	s25 =	sadd.s32 $0x2800, s24;
	[sflag:s19] =	ssyncadd.s32 $0xFFFFC000  }
0x69: {  	[hbm4b:s25+s2] =	stream.linear.scatter [tilespmem:s14], [sflag:$0x2], $0x4000, $0x38;
	[tilespmem:$0x11000] =	vst v63  }
0x6a: {  	_ =	swait.ge [sflag:s19], $0x4000  }
0x6b: {  	[sflag:s19] =	ssyncset.done $0x0  }
.Ltmp0:
0x6c: {  	s25 =	sadd.s32 $0x3000, s24;
	[sflag:s19] =	ssyncadd.s32 $0xFFFFC000;
	(pc) =	sbr.rel @p0 .LBB2_2-.Ltmp0, $4  }
0x6d: {  	[hbm4b:s25+s2] =	stream.linear.scatter [tilespmem:s16], [sflag:$0x2], $0x4000, $0x38;
	[tilespmem:$0x11000] =	vst v63  }
0x6e: {  	_ =	swait.ge [sflag:s19], $0x4000  }
0x6f: {  	[sflag:s19] =	ssyncset.done $0x0  }
0x70: {  	s23 =	sadd.s32 $0x200, s23;
	s24 =	sadd.s32 $0x3800, s24;
	[sflag:s19] =	ssyncadd.s32 $0xFFFFC000  }
0x71: {  	[hbm4b:s24+s2] =	stream.linear.scatter [tilespmem:s18], [sflag:$0x2], $0x4000, $0x38;
	[tilespmem:$0x11000] =	vst v63  }
0x72: {  	_ =	swait.ge [sflag:s20], $0x4000  }
0x73: {  	[sflag:s20] =	ssyncset.done $0x0  }
0x74: {  	[sflag:s20] =	ssyncadd.s32 $0xFFFFC000  }
0x75: {  	_ =	swait.ge [sflag:s20], $0x4000  }
0x76: {  	[sflag:s20] =	ssyncset.done $0x0  }
0x77: {  	s21 =	sadd.s32 $0x1, s21;
	[sflag:s20] =	ssyncadd.s32 $0xFFFFC000  }
0x78: {  	p0 =	sne.s32 s21, s6;
	_ =	swait.ge [sflag:s20], $0x4000  }
.Ltmp1:
0x79: {  	[sflag:s20] =	ssyncset.done $0x0;
	(pc) =	sbr.rel @p0 .LBB2_1-.Ltmp1, $4  }
0x7a: {  	[sflag:s20] =	ssyncadd.s32 $0xFFFFC000  }
0x7b: {  	_ =	swait.ge [sflag:s20], $0x4000  }
0x7c: {  	[sflag:s20] =	ssyncset.done $0x0  }
0x7d: {  	[sflag:s20] =	ssyncadd.s32 $0xFFFFC000  }
0x7e: {  	_ =	sfence.sel $0x180000  }
0x7f: {  	[bflag:$0x0] =	sbarrier.arrive $0xFFFF  }
0x80: {  	p0 =	sne.s32 s1, $0x0;
	_ =	strace $0x90000047  }
0x81: {  	s0 =	sadd.s32 @!p0 $0x100000, s0;
	[bflag:$0x2] =	sbarrier.arrive $0xFFFF  }
0x82: {  	[sflag:s0] =	ssyncadd.tile.s32 @!p0 $0x1;
	_ =	shalt  }
.Lfunc_end2:
_tile_overlayer_lowered:
.L_overlay_start_2:
0x83: {  	(tag) =	ssettag $0x2  }
0x84: {  	s0 =	rddreg [dreg:$0x0];
	s2 =	stileid.u32  }
0x85: {  	s1 =	rddreg [dreg:$0x1];
	p0 =	sne.s32 s2, $0x0  }
0x86: {  	s3 =	rddreg [dreg:$0x2];
	[bflag:$0x3] =	sbarrier.arrive $0xFFFF;
	s2 =	simm.s32 @!p0 $0x1C03  }
0x87: {  	[timem:s3], [sflag:s2] =	dma.local @!p0 [hbm:s0], s1  }
0x88: {  	s0 =	simm.s32 @!p0 $0x3  }
0x89: {  	_ =	swait.ge @!p0 [sflag:s0], s1  }
0x8a: {  	s1 =	ssub.s32 @!p0 $0x0, s1;
	[sflag:s0] =	ssyncset.done @!p0 $0x0  }
0x8b: {  	[sflag:s0] =	ssyncadd.s32 @!p0 s1  }
0x8c: {  	[bflag:$0x3] =	sbarrier.arrive $0xFFFF  }
0x8d: {  	_ =	shalt  }

</sc_bundles>
